<compile_context>
chip_gen: v7x
topology: tpu7x:2x2x1
jax: 0.10.2.dev20260603
libtpu: 0.0.44.dev20260713+nightly
codegen_flags: <defaults>
</compile_context>

<pallas_src>
import functools

import jax
import jax.numpy as jnp
from jax import lax
from jax.experimental import pallas as pl
from jax.experimental.pallas import tpu as pltpu
from jax.experimental.pallas import tpu_sc as plsc

N = 10000
E = 320000
D = 128
D_HID = 256
N_CLASS = 40

NC = 2
NS = 16
L = 16
NW = NC * NS
EPW = E // NW
C = 80
NCHUNK = EPW // C
NP = 10240
RPS = NP // NS
ZR = 128

_mesh = plsc.VectorSubcoreMesh(core_axis_name="c", subcore_axis_name="s")


@functools.partial(
    pl.kernel,
    out_type=jax.ShapeDtypeStruct((NC, NP, D), jnp.float32),
    mesh=_mesh,
    scratch_types=[
        pltpu.VMEM((NCHUNK, C), jnp.int32),
        pltpu.VMEM((C, D), jnp.float32),
        pltpu.VMEM_SHARED((NP, D), jnp.float32),
        pltpu.SemaphoreType.DMA,
    ],
)
def _deg_kernel(dst3_hbm, ones_hbm, zeros_hbm, out_hbm, dst_v, ones_v, acc_sh, sem_s):
    cid = lax.axis_index("c")
    sid = lax.axis_index("s")
    wid = sid * NC + cid

    pltpu.sync_copy(ones_hbm, ones_v)
    pltpu.sync_copy(dst3_hbm.at[wid], dst_v)
    base_row = sid * RPS
    for k in range(RPS // ZR):
        pltpu.sync_copy(zeros_hbm, acc_sh.at[pl.ds(base_row + k * ZR, ZR)])
    plsc.subcore_barrier()

    def body(j, _):
        pltpu.async_copy(ones_v, acc_sh.at[dst_v.at[j]], sem_s, add=True)

        @pl.when(j >= 4)
        def _():
            pltpu.make_async_copy(ones_v, acc_sh.at[dst_v.at[j - 4]], sem_s).wait()

        return 0

    lax.fori_loop(0, NCHUNK, body, 0)
    for t in range(4):
        pltpu.make_async_copy(ones_v, acc_sh.at[dst_v.at[NCHUNK - 4 + t]], sem_s).wait()
    plsc.subcore_barrier()

    pltpu.sync_copy(
        acc_sh.at[pl.ds(base_row, RPS)],
        out_hbm.at[cid, pl.ds(base_row, RPS)],
    )


@functools.partial(
    pl.kernel,
    out_type=jax.ShapeDtypeStruct((NC, NP, D), jnp.float32),
    mesh=_mesh,
    scratch_types=[
        pltpu.VMEM((EPW,), jnp.int32),
        pltpu.VMEM((NCHUNK, C), jnp.int32),
        pltpu.VMEM((2, C, D), jnp.float32),
        pltpu.VMEM_SHARED((NP, D), jnp.float32),
        pltpu.SemaphoreType.DMA,
        pltpu.SemaphoreType.DMA,
    ],
)
def _agg_kernel(src2_hbm, dst3_hbm, xs_hbm, zeros_hbm, out_hbm,
                src_v, dst_v, rows_v, acc_sh, sem_g, sem_s):
    cid = lax.axis_index("c")
    sid = lax.axis_index("s")
    wid = sid * NC + cid

    pltpu.sync_copy(src2_hbm.at[wid], src_v)
    pltpu.sync_copy(dst3_hbm.at[wid], dst_v)
    base_row = sid * RPS
    for k in range(RPS // ZR):
        pltpu.sync_copy(zeros_hbm, acc_sh.at[pl.ds(base_row + k * ZR, ZR)])
    plsc.subcore_barrier()

    pltpu.async_copy(xs_hbm.at[src_v.at[pl.ds(0, C)]], rows_v.at[0], sem_g)

    def body(j, _):
        @pl.when(j >= 1)
        def _():
            pltpu.make_async_copy(
                rows_v.at[lax.rem(j - 1, 2)],
                acc_sh.at[dst_v.at[j - 1]], sem_s).wait()

        @pl.when(j + 1 < NCHUNK)
        def _():
            pltpu.async_copy(
                xs_hbm.at[src_v.at[pl.ds((j + 1) * C, C)]],
                rows_v.at[lax.rem(j + 1, 2)], sem_g)

        pltpu.make_async_copy(
            xs_hbm.at[src_v.at[pl.ds(j * C, C)]], rows_v.at[lax.rem(j, 2)], sem_g).wait()
        pltpu.async_copy(
            rows_v.at[lax.rem(j, 2)],
            acc_sh.at[dst_v.at[j]], sem_s, add=True)
        return 0

    lax.fori_loop(0, NCHUNK, body, 0)
    pltpu.make_async_copy(
        rows_v.at[(NCHUNK - 1) % 2], acc_sh.at[dst_v.at[NCHUNK - 1]], sem_s).wait()
    plsc.subcore_barrier()

    pltpu.sync_copy(
        acc_sh.at[pl.ds(base_row, RPS)],
        out_hbm.at[cid, pl.ds(base_row, RPS)],
    )


def _tc1_body(degp_ref, x_ref, dinv_ref, xs_ref):
    s = degp_ref[0] + degp_ref[1]
    deg = s[:N, 0:1] + 1.0
    dinv = lax.rsqrt(jnp.maximum(deg, 1.0))
    dinv_ref[...] = dinv
    xs_ref[...] = x_ref[...] * dinv


def _tc1(degp, x):
    return pl.pallas_call(
        _tc1_body,
        out_shape=(
            jax.ShapeDtypeStruct((N, 1), jnp.float32),
            jax.ShapeDtypeStruct((N, D), jnp.float32),
        ),
    )(degp, x)


def _tc2_body(agg_ref, xs_ref, dinv_ref, w1_ref, b1_ref, w2_ref, ts_ref):
    dinv = dinv_ref[...]
    a = agg_ref[0] + agg_ref[1]
    p = (a[:N] + xs_ref[...]) * dinv
    h1 = jnp.dot(p, w1_ref[...], preferred_element_type=jnp.float32)
    h1 = jnp.maximum(h1 + b1_ref[...], 0.0)
    t = jnp.dot(h1, w2_ref[...], preferred_element_type=jnp.float32)
    ts_ref[...] = t * dinv


def _tc2(agg1, xs, dinv, W1, b1, W2):
    return pl.pallas_call(
        _tc2_body,
        out_shape=jax.ShapeDtypeStruct((N, D), jnp.float32),
    )(agg1, xs, dinv, W1, b1, W2)


def _tc3_body(agg_ref, ts_ref, dinv_ref, b2_ref, wfc_ref, bfc_ref, out_ref):
    a = agg_ref[0] + agg_ref[1]
    h2 = (a[:N] + ts_ref[...]) * dinv_ref[...]
    h2 = jnp.maximum(h2 + b2_ref[...], 0.0)
    o = jnp.dot(h2, wfc_ref[...], preferred_element_type=jnp.float32)
    out_ref[...] = o + bfc_ref[...]


def _tc3(agg2, ts, dinv, b2, Wfc, bfc):
    return pl.pallas_call(
        _tc3_body,
        out_shape=jax.ShapeDtypeStruct((N, N_CLASS), jnp.float32),
    )(agg2, ts, dinv, b2, Wfc, bfc)


@jax.jit
def kernel(x, edge_index, W1, b1, W2, b2, Wfc, bfc):
    src2 = edge_index[0].reshape(NW, EPW)
    dst3 = edge_index[1].reshape(NW, NCHUNK, C)
    ones_cd = jnp.ones((C, D), jnp.float32)
    zeros_d = jnp.zeros((ZR, D), jnp.float32)
    degp = _deg_kernel(dst3, ones_cd, zeros_d)
    dinv, xs = _tc1(degp, x)
    agg1 = _agg_kernel(src2, dst3, xs, zeros_d)
    ts = _tc2(agg1, xs, dinv, W1, b1.reshape(1, -1), W2)
    agg2 = _agg_kernel(src2, dst3, ts, zeros_d)
    return _tc3(agg2, ts, dinv, b2.reshape(1, -1), Wfc, bfc.reshape(1, -1))

# --- scband reference (transcript-rebuilt; emitter-appended) ---
"""Pipeline reference for scband-teacher-3118146257548 (READ-ONLY COPY).

The authoritative reference and input builder live on the scoring server;
editing this copy changes nothing except your own understanding.
"""

import jax, jax.numpy as jnp
import numpy as np

N = 10000
E = 320000
D_IN = 128
D_HID = 256  # 2 * out_channels
D_OUT = 128  # out_channels
N_CLASS = 40


def setup_inputs(seed: int = 0) -> dict:
    key = jax.random.key(seed)
    ks = jax.random.split(key, 9)
    x = jax.random.normal(ks[0], (N, D_IN), dtype=jnp.float32)
    edge_index = jax.random.randint(ks[1], (2, E), 0, N, dtype=jnp.int32)
    W1 = jax.random.normal(ks[2], (D_IN, D_HID), dtype=jnp.float32) / np.sqrt(D_IN)
    b1 = jnp.zeros((D_HID,), dtype=jnp.float32)
    W2 = jax.random.normal(ks[3], (D_HID, D_OUT), dtype=jnp.float32) / np.sqrt(D_HID)
    b2 = jnp.zeros((D_OUT,), dtype=jnp.float32)
    Wfc = jax.random.normal(ks[4], (D_OUT, N_CLASS), dtype=jnp.float32) / np.sqrt(D_OUT)
    bfc = jnp.zeros((N_CLASS,), dtype=jnp.float32)
    return {"x": x, "edge_index": edge_index, "W1": W1, "b1": b1,
            "W2": W2, "b2": b2, "Wfc": Wfc, "bfc": bfc}


def _gcn_conv(x, edge_index, W, b):
    # PyG-style GCNConv: add self-loops, symmetric deg normalization,
    # linear transform, scatter-add aggregation to dst nodes.
    n = x.shape[0]
    src = edge_index[0]
    dst = edge_index[1]
    loop = jnp.arange(n, dtype=src.dtype)
    src = jnp.concatenate([src, loop])
    dst = jnp.concatenate([dst, loop])
    h = x @ W
    ones = jnp.ones(src.shape[0], dtype=x.dtype)
    deg = jax.ops.segment_sum(ones, dst, num_segments=n)
    dinv = jax.lax.rsqrt(jnp.maximum(deg, 1.0))
    norm = dinv[src] * dinv[dst]
    msg = h[src] * norm[:, None]
    out = jax.ops.segment_sum(msg, dst, num_segments=n)
    return out + b


def reference(x, edge_index, W1, b1, W2, b2, Wfc, bfc):
    # Dropout is identity in eval mode (deterministic reference).
    h = jax.nn.relu(_gcn_conv(x, edge_index, W1, b1))
    h = jax.nn.relu(_gcn_conv(h, edge_index, W2, b2))
    return h @ Wfc + bfc

if __name__ == "__main__":
    import jax
    _d = setup_inputs()
    print(jax.jit(kernel)(*tuple(_d.values())))

</pallas_src>

<mosaic_0001>
#map = affine_map<(d0, d1) -> (0, 0)>
#map1 = affine_map<(d0, d1) -> (0, 0, 0)>
module attributes {stable_mosaic.version = 14 : i64} {
  func.func @_agg_kernel(%arg0: i32, %arg1: i32, %arg2: memref<32x10000xi32, #tpu.memory_space<hbm>>, %arg3: memref<32x125x80xi32, #tpu.memory_space<hbm>>, %arg4: memref<10000x128xf32, #tpu.memory_space<hbm>>, %arg5: memref<128x128xf32, #tpu.memory_space<hbm>>, %arg6: memref<2x10240x128xf32, #tpu.memory_space<hbm>>, %arg7: memref<10000xi32, #tpu.memory_space<vmem>>, %arg8: memref<125x80xi32, #tpu.memory_space<vmem>>, %arg9: memref<2x80x128xf32, #tpu.memory_space<vmem>>, %arg10: memref<10240x128xf32, #tpu.memory_space<vmem_shared>>, %arg11: memref<!tpu.dma_semaphore, #tpu.memory_space<semaphore_mem>>, %arg12: memref<!tpu.dma_semaphore, #tpu.memory_space<semaphore_mem>>) attributes {dimension_semantics = [#tpu.dimension_semantics<core_parallel>, #tpu.dimension_semantics<subcore_parallel>], iteration_bounds = array<i64: 2, 16>, scalar_prefetch = 0 : i64, scratch_operands = 6 : i64, tpu.core_type = #tpu.core_type<sc_vector_subcore>, window_params = [{transform_indices = #map}, {transform_indices = #map1}, {transform_indices = #map}, {transform_indices = #map}, {transform_indices = #map1}]} {
    %mul3A = arith.constant 2 : i32
    %mul3A_0 = arith.muli %arg1, %mul3A : i32
    %add3A = arith.addi %mul3A_0, %arg0 : i32
    "tpu.region"() ({
      %run_scoped3A = tpu.sem_alloc : memref<!tpu.dma_semaphore, #tpu.memory_space<semaphore_mem>>
      %dma_start3A_40 = arith.constant 0 : i32
      %dma_start3A_41 = tpu.memref_slice %arg2[%add3A, %dma_start3A_40] : memref<32x10000xi32, #tpu.memory_space<hbm>> -> memref<1x10000xi32, #tpu.memory_space<hbm>>
      %dma_start3A_42 = tpu.memref_squeeze %dma_start3A_41 : memref<1x10000xi32, #tpu.memory_space<hbm>> -> memref<10000xi32, #tpu.memory_space<hbm>>
      %dma_start3A_43 = arith.constant 0 : i32
      %dma_start3A_44 = tpu.memref_slice %arg2[%add3A, %dma_start3A_43] : memref<32x10000xi32, #tpu.memory_space<hbm>> -> memref<1x10000xi32, #tpu.memory_space<hbm>>
      %dma_start3A_45 = tpu.memref_squeeze %dma_start3A_44 : memref<1x10000xi32, #tpu.memory_space<hbm>> -> memref<10000xi32, #tpu.memory_space<hbm>>
      tpu.enqueue_dma source(%dma_start3A_45 : memref<10000xi32, #tpu.memory_space<hbm>>) target(%arg7 : memref<10000xi32, #tpu.memory_space<vmem>>) target_semaphore(%run_scoped3A : memref<!tpu.dma_semaphore, #tpu.memory_space<semaphore_mem>>)
      %dma_wait3A_46 = arith.constant 0 : i32
      %dma_wait3A_47 = tpu.memref_slice %arg2[%add3A, %dma_wait3A_46] : memref<32x10000xi32, #tpu.memory_space<hbm>> -> memref<1x10000xi32, #tpu.memory_space<hbm>>
      %dma_wait3A_48 = tpu.memref_squeeze %dma_wait3A_47 : memref<1x10000xi32, #tpu.memory_space<hbm>> -> memref<10000xi32, #tpu.memory_space<hbm>>
      %dma_wait3A_49 = arith.constant 0 : i32
      %dma_wait3A_50 = tpu.memref_slice %arg2[%add3A, %dma_wait3A_49] : memref<32x10000xi32, #tpu.memory_space<hbm>> -> memref<1x10000xi32, #tpu.memory_space<hbm>>
      %dma_wait3A_51 = tpu.memref_squeeze %dma_wait3A_50 : memref<1x10000xi32, #tpu.memory_space<hbm>> -> memref<10000xi32, #tpu.memory_space<hbm>>
      tpu.wait_dma2 semaphore(%run_scoped3A : memref<!tpu.dma_semaphore, #tpu.memory_space<semaphore_mem>>) src(%dma_wait3A_51 : memref<10000xi32, #tpu.memory_space<hbm>>) dst(%arg7 : memref<10000xi32, #tpu.memory_space<vmem>>)
      tpu.yield
    }) : () -> ()
    "tpu.region"() ({
      %run_scoped3A = tpu.sem_alloc : memref<!tpu.dma_semaphore, #tpu.memory_space<semaphore_mem>>
      %dma_start3A_40 = arith.constant 0 : i32
      %dma_start3A_41 = arith.constant 0 : i32
      %dma_start3A_42 = tpu.memref_slice %arg3[%add3A, %dma_start3A_40, %dma_start3A_41] : memref<32x125x80xi32, #tpu.memory_space<hbm>> -> memref<1x125x80xi32, #tpu.memory_space<hbm>>
      %dma_start3A_43 = tpu.memref_squeeze %dma_start3A_42 : memref<1x125x80xi32, #tpu.memory_space<hbm>> -> memref<125x80xi32, #tpu.memory_space<hbm>>
      %dma_start3A_44 = arith.constant 0 : i32
      %dma_start3A_45 = arith.constant 0 : i32
      %dma_start3A_46 = tpu.memref_slice %arg3[%add3A, %dma_start3A_44, %dma_start3A_45] : memref<32x125x80xi32, #tpu.memory_space<hbm>> -> memref<1x125x80xi32, #tpu.memory_space<hbm>>
      %dma_start3A_47 = tpu.memref_squeeze %dma_start3A_46 : memref<1x125x80xi32, #tpu.memory_space<hbm>> -> memref<125x80xi32, #tpu.memory_space<hbm>>
      tpu.enqueue_dma source(%dma_start3A_47 : memref<125x80xi32, #tpu.memory_space<hbm>>) target(%arg8 : memref<125x80xi32, #tpu.memory_space<vmem>>) target_semaphore(%run_scoped3A : memref<!tpu.dma_semaphore, #tpu.memory_space<semaphore_mem>>)
      %dma_wait3A_48 = arith.constant 0 : i32
      %dma_wait3A_49 = arith.constant 0 : i32
      %dma_wait3A_50 = tpu.memref_slice %arg3[%add3A, %dma_wait3A_48, %dma_wait3A_49] : memref<32x125x80xi32, #tpu.memory_space<hbm>> -> memref<1x125x80xi32, #tpu.memory_space<hbm>>
      %dma_wait3A_51 = tpu.memref_squeeze %dma_wait3A_50 : memref<1x125x80xi32, #tpu.memory_space<hbm>> -> memref<125x80xi32, #tpu.memory_space<hbm>>
      %dma_wait3A_52 = arith.constant 0 : i32
      %dma_wait3A_53 = arith.constant 0 : i32
      %dma_wait3A_54 = tpu.memref_slice %arg3[%add3A, %dma_wait3A_52, %dma_wait3A_53] : memref<32x125x80xi32, #tpu.memory_space<hbm>> -> memref<1x125x80xi32, #tpu.memory_space<hbm>>
      %dma_wait3A_55 = tpu.memref_squeeze %dma_wait3A_54 : memref<1x125x80xi32, #tpu.memory_space<hbm>> -> memref<125x80xi32, #tpu.memory_space<hbm>>
      tpu.wait_dma2 semaphore(%run_scoped3A : memref<!tpu.dma_semaphore, #tpu.memory_space<semaphore_mem>>) src(%dma_wait3A_55 : memref<125x80xi32, #tpu.memory_space<hbm>>) dst(%arg8 : memref<125x80xi32, #tpu.memory_space<vmem>>)
      tpu.yield
    }) : () -> ()
    %mul3A_1 = arith.constant 640 : i32
    %mul3A_2 = arith.muli %arg1, %mul3A_1 : i32
    %add3A_3 = arith.constant 0 : i32
    %add3A_4 = arith.addi %mul3A_2, %add3A_3 : i32
    "tpu.region"() ({
      %run_scoped3A = tpu.sem_alloc : memref<!tpu.dma_semaphore, #tpu.memory_space<semaphore_mem>>
      %dma_start3A_40 = arith.constant 0 : i32
      %dma_start3A_41 = tpu.memref_slice %arg10[%add3A_4, %dma_start3A_40] : memref<10240x128xf32, #tpu.memory_space<vmem_shared>> -> memref<128x128xf32, #tpu.memory_space<vmem_shared>>
      tpu.enqueue_dma source(%arg5 : memref<128x128xf32, #tpu.memory_space<hbm>>) target(%dma_start3A_41 : memref<128x128xf32, #tpu.memory_space<vmem_shared>>) target_semaphore(%run_scoped3A : memref<!tpu.dma_semaphore, #tpu.memory_space<semaphore_mem>>)
      %dma_wait3A_42 = arith.constant 0 : i32
      %dma_wait3A_43 = tpu.memref_slice %arg10[%add3A_4, %dma_wait3A_42] : memref<10240x128xf32, #tpu.memory_space<vmem_shared>> -> memref<128x128xf32, #tpu.memory_space<vmem_shared>>
      tpu.wait_dma2 semaphore(%run_scoped3A : memref<!tpu.dma_semaphore, #tpu.memory_space<semaphore_mem>>) src(%arg5 : memref<128x128xf32, #tpu.memory_space<hbm>>) dst(%dma_wait3A_43 : memref<128x128xf32, #tpu.memory_space<vmem_shared>>)
      tpu.yield
    }) : () -> ()
    %add3A_5 = arith.constant 128 : i32
    %add3A_6 = arith.addi %mul3A_2, %add3A_5 : i32
    "tpu.region"() ({
      %run_scoped3A = tpu.sem_alloc : memref<!tpu.dma_semaphore, #tpu.memory_space<semaphore_mem>>
      %dma_start3A_40 = arith.constant 0 : i32
      %dma_start3A_41 = tpu.memref_slice %arg10[%add3A_6, %dma_start3A_40] : memref<10240x128xf32, #tpu.memory_space<vmem_shared>> -> memref<128x128xf32, #tpu.memory_space<vmem_shared>>
      tpu.enqueue_dma source(%arg5 : memref<128x128xf32, #tpu.memory_space<hbm>>) target(%dma_start3A_41 : memref<128x128xf32, #tpu.memory_space<vmem_shared>>) target_semaphore(%run_scoped3A : memref<!tpu.dma_semaphore, #tpu.memory_space<semaphore_mem>>)
      %dma_wait3A_42 = arith.constant 0 : i32
      %dma_wait3A_43 = tpu.memref_slice %arg10[%add3A_6, %dma_wait3A_42] : memref<10240x128xf32, #tpu.memory_space<vmem_shared>> -> memref<128x128xf32, #tpu.memory_space<vmem_shared>>
      tpu.wait_dma2 semaphore(%run_scoped3A : memref<!tpu.dma_semaphore, #tpu.memory_space<semaphore_mem>>) src(%arg5 : memref<128x128xf32, #tpu.memory_space<hbm>>) dst(%dma_wait3A_43 : memref<128x128xf32, #tpu.memory_space<vmem_shared>>)
      tpu.yield
    }) : () -> ()
    %add3A_7 = arith.constant 256 : i32
    %add3A_8 = arith.addi %mul3A_2, %add3A_7 : i32
    "tpu.region"() ({
      %run_scoped3A = tpu.sem_alloc : memref<!tpu.dma_semaphore, #tpu.memory_space<semaphore_mem>>
      %dma_start3A_40 = arith.constant 0 : i32
      %dma_start3A_41 = tpu.memref_slice %arg10[%add3A_8, %dma_start3A_40] : memref<10240x128xf32, #tpu.memory_space<vmem_shared>> -> memref<128x128xf32, #tpu.memory_space<vmem_shared>>
      tpu.enqueue_dma source(%arg5 : memref<128x128xf32, #tpu.memory_space<hbm>>) target(%dma_start3A_41 : memref<128x128xf32, #tpu.memory_space<vmem_shared>>) target_semaphore(%run_scoped3A : memref<!tpu.dma_semaphore, #tpu.memory_space<semaphore_mem>>)
      %dma_wait3A_42 = arith.constant 0 : i32
      %dma_wait3A_43 = tpu.memref_slice %arg10[%add3A_8, %dma_wait3A_42] : memref<10240x128xf32, #tpu.memory_space<vmem_shared>> -> memref<128x128xf32, #tpu.memory_space<vmem_shared>>
      tpu.wait_dma2 semaphore(%run_scoped3A : memref<!tpu.dma_semaphore, #tpu.memory_space<semaphore_mem>>) src(%arg5 : memref<128x128xf32, #tpu.memory_space<hbm>>) dst(%dma_wait3A_43 : memref<128x128xf32, #tpu.memory_space<vmem_shared>>)
      tpu.yield
    }) : () -> ()
    %add3A_9 = arith.constant 384 : i32
    %add3A_10 = arith.addi %mul3A_2, %add3A_9 : i32
    "tpu.region"() ({
      %run_scoped3A = tpu.sem_alloc : memref<!tpu.dma_semaphore, #tpu.memory_space<semaphore_mem>>
      %dma_start3A_40 = arith.constant 0 : i32
      %dma_start3A_41 = tpu.memref_slice %arg10[%add3A_10, %dma_start3A_40] : memref<10240x128xf32, #tpu.memory_space<vmem_shared>> -> memref<128x128xf32, #tpu.memory_space<vmem_shared>>
      tpu.enqueue_dma source(%arg5 : memref<128x128xf32, #tpu.memory_space<hbm>>) target(%dma_start3A_41 : memref<128x128xf32, #tpu.memory_space<vmem_shared>>) target_semaphore(%run_scoped3A : memref<!tpu.dma_semaphore, #tpu.memory_space<semaphore_mem>>)
      %dma_wait3A_42 = arith.constant 0 : i32
      %dma_wait3A_43 = tpu.memref_slice %arg10[%add3A_10, %dma_wait3A_42] : memref<10240x128xf32, #tpu.memory_space<vmem_shared>> -> memref<128x128xf32, #tpu.memory_space<vmem_shared>>
      tpu.wait_dma2 semaphore(%run_scoped3A : memref<!tpu.dma_semaphore, #tpu.memory_space<semaphore_mem>>) src(%arg5 : memref<128x128xf32, #tpu.memory_space<hbm>>) dst(%dma_wait3A_43 : memref<128x128xf32, #tpu.memory_space<vmem_shared>>)
      tpu.yield
    }) : () -> ()
    %add3A_11 = arith.constant 512 : i32
    %add3A_12 = arith.addi %mul3A_2, %add3A_11 : i32
    "tpu.region"() ({
      %run_scoped3A = tpu.sem_alloc : memref<!tpu.dma_semaphore, #tpu.memory_space<semaphore_mem>>
      %dma_start3A_40 = arith.constant 0 : i32
      %dma_start3A_41 = tpu.memref_slice %arg10[%add3A_12, %dma_start3A_40] : memref<10240x128xf32, #tpu.memory_space<vmem_shared>> -> memref<128x128xf32, #tpu.memory_space<vmem_shared>>
      tpu.enqueue_dma source(%arg5 : memref<128x128xf32, #tpu.memory_space<hbm>>) target(%dma_start3A_41 : memref<128x128xf32, #tpu.memory_space<vmem_shared>>) target_semaphore(%run_scoped3A : memref<!tpu.dma_semaphore, #tpu.memory_space<semaphore_mem>>)
      %dma_wait3A_42 = arith.constant 0 : i32
      %dma_wait3A_43 = tpu.memref_slice %arg10[%add3A_12, %dma_wait3A_42] : memref<10240x128xf32, #tpu.memory_space<vmem_shared>> -> memref<128x128xf32, #tpu.memory_space<vmem_shared>>
      tpu.wait_dma2 semaphore(%run_scoped3A : memref<!tpu.dma_semaphore, #tpu.memory_space<semaphore_mem>>) src(%arg5 : memref<128x128xf32, #tpu.memory_space<hbm>>) dst(%dma_wait3A_43 : memref<128x128xf32, #tpu.memory_space<vmem_shared>>)
      tpu.yield
    }) : () -> ()
    %barrier3A = arith.constant 0 : index
    tpu.barrier barrier_id(%barrier3A)
    %dma_start3A = arith.constant 0 : i32
    %dma_start3A_13 = arith.constant 0 : i32
    %dma_start3A_14 = arith.constant 0 : i32
    %dma_start3A_15 = tpu.memref_slice %arg9[%dma_start3A, %dma_start3A_13, %dma_start3A_14] : memref<2x80x128xf32, #tpu.memory_space<vmem>> -> memref<1x80x128xf32, #tpu.memory_space<vmem>>
    %dma_start3A_16 = tpu.memref_squeeze %dma_start3A_15 : memref<1x80x128xf32, #tpu.memory_space<vmem>> -> memref<80x128xf32, #tpu.memory_space<vmem>>
    %dma_start3A_17 = arith.constant 0 : i32
    %dma_start3A_18 = tpu.memref_slice %arg7[%dma_start3A_17] : memref<10000xi32, #tpu.memory_space<vmem>> -> memref<80xi32, #tpu.memory_space<vmem>>
    %dma_start3A_19 = arith.constant 0 : i32
    %dma_start3A_20 = arith.constant 0 : i32
    %dma_start3A_21 = tpu.memref_slice %arg4[%dma_start3A_19, %dma_start3A_20] : memref<10000x128xf32, #tpu.memory_space<hbm>> -> memref<10000x128xf32, #tpu.memory_space<hbm>>
    tpu.enqueue_indirect_dma source(%dma_start3A_21 : memref<10000x128xf32, #tpu.memory_space<hbm>>) target(%dma_start3A_16 : memref<80x128xf32, #tpu.memory_space<vmem>>) offsets(%dma_start3A_18 : memref<80xi32, #tpu.memory_space<vmem>>) semaphore(%arg11 : memref<!tpu.dma_semaphore, #tpu.memory_space<semaphore_mem>>)
    %scan3A = arith.constant 0 : i32
    %scan3A_22 = arith.constant 0 : i32
    %scan3A_23 = arith.constant 125 : i32
    %scan3A_24 = arith.addi %scan3A_22, %scan3A_23 : i32
    %scan3A_25 = arith.constant 1 : i32
    %scan3A_26 = scf.for %scan3A_40 = %scan3A_22 to %scan3A_24 step %scan3A_25 iter_args(%scan3A_41 = %scan3A) -> (i32)  : i32 {
      %ge3A = arith.constant 1 : i32
      %ge3A_42 = arith.cmpi sge, %scan3A_40, %ge3A : i32
      %convert_element_type3A = arith.extui %ge3A_42 : i1 to i32
      %cond3A = arith.constant 0 : i32
      %cond3A_43 = arith.cmpi ne, %convert_element_type3A, %cond3A : i32
      scf.if %cond3A_43 {
        %sub3A = arith.constant 1 : i32
        %sub3A_74 = arith.subi %scan3A_40, %sub3A : i32
        %rem3A_75 = arith.constant 2 : i32
        %rem3A_76 = arith.remsi %sub3A_74, %rem3A_75 : i32
        %sub3A_77 = arith.constant 1 : i32
        %sub3A_78 = arith.subi %scan3A_40, %sub3A_77 : i32
        %dma_wait3A_79 = arith.constant 0 : i32
        %dma_wait3A_80 = arith.constant 0 : i32
        %dma_wait3A_81 = tpu.memref_slice %arg9[%rem3A_76, %dma_wait3A_79, %dma_wait3A_80] : memref<2x80x128xf32, #tpu.memory_space<vmem>> -> memref<1x80x128xf32, #tpu.memory_space<vmem>>
        %dma_wait3A_82 = tpu.memref_squeeze %dma_wait3A_81 : memref<1x80x128xf32, #tpu.memory_space<vmem>> -> memref<80x128xf32, #tpu.memory_space<vmem>>
        %dma_wait3A_83 = arith.constant 0 : i32
        %dma_wait3A_84 = tpu.memref_slice %arg8[%sub3A_78, %dma_wait3A_83] : memref<125x80xi32, #tpu.memory_space<vmem>> -> memref<1x80xi32, #tpu.memory_space<vmem>>
        %dma_wait3A_85 = tpu.memref_squeeze %dma_wait3A_84 : memref<1x80xi32, #tpu.memory_space<vmem>> -> memref<80xi32, #tpu.memory_space<vmem>>
        %dma_wait3A_86 = arith.constant 0 : i32
        %dma_wait3A_87 = arith.constant 0 : i32
        %dma_wait3A_88 = tpu.memref_slice %arg10[%dma_wait3A_86, %dma_wait3A_87] : memref<10240x128xf32, #tpu.memory_space<vmem_shared>> -> memref<10240x128xf32, #tpu.memory_space<vmem_shared>>
        tpu.wait_indirect_dma semaphore(%arg12 : memref<!tpu.dma_semaphore, #tpu.memory_space<semaphore_mem>>) src(%dma_wait3A_82 : memref<80x128xf32, #tpu.memory_space<vmem>>) dst(%dma_wait3A_88 : memref<10240x128xf32, #tpu.memory_space<vmem_shared>>)
      } else {
      }
      %add3A_44 = arith.constant 1 : i32
      %add3A_45 = arith.addi %scan3A_40, %add3A_44 : i32
      %lt3A = arith.constant 125 : i32
      %lt3A_46 = arith.cmpi slt, %add3A_45, %lt3A : i32
      %convert_element_type3A_47 = arith.extui %lt3A_46 : i1 to i32
      %cond3A_48 = arith.constant 0 : i32
      %cond3A_49 = arith.cmpi ne, %convert_element_type3A_47, %cond3A_48 : i32
      scf.if %cond3A_49 {
        %add3A_74 = arith.constant 1 : i32
        %add3A_75 = arith.addi %scan3A_40, %add3A_74 : i32
        %mul3A_76 = arith.constant 80 : i32
        %mul3A_77 = arith.muli %add3A_75, %mul3A_76 : i32
        %add3A_78 = arith.constant 1 : i32
        %add3A_79 = arith.addi %scan3A_40, %add3A_78 : i32
        %rem3A_80 = arith.constant 2 : i32
        %rem3A_81 = arith.remsi %add3A_79, %rem3A_80 : i32
        %dma_start3A_82 = arith.constant 0 : i32
        %dma_start3A_83 = arith.constant 0 : i32
        %dma_start3A_84 = tpu.memref_slice %arg9[%rem3A_81, %dma_start3A_82, %dma_start3A_83] : memref<2x80x128xf32, #tpu.memory_space<vmem>> -> memref<1x80x128xf32, #tpu.memory_space<vmem>>
        %dma_start3A_85 = tpu.memref_squeeze %dma_start3A_84 : memref<1x80x128xf32, #tpu.memory_space<vmem>> -> memref<80x128xf32, #tpu.memory_space<vmem>>
        %dma_start3A_86 = tpu.memref_slice %arg7[%mul3A_77] : memref<10000xi32, #tpu.memory_space<vmem>> -> memref<80xi32, #tpu.memory_space<vmem>>
        %dma_start3A_87 = arith.constant 0 : i32
        %dma_start3A_88 = arith.constant 0 : i32
        %dma_start3A_89 = tpu.memref_slice %arg4[%dma_start3A_87, %dma_start3A_88] : memref<10000x128xf32, #tpu.memory_space<hbm>> -> memref<10000x128xf32, #tpu.memory_space<hbm>>
        tpu.enqueue_indirect_dma source(%dma_start3A_89 : memref<10000x128xf32, #tpu.memory_space<hbm>>) target(%dma_start3A_85 : memref<80x128xf32, #tpu.memory_space<vmem>>) offsets(%dma_start3A_86 : memref<80xi32, #tpu.memory_space<vmem>>) semaphore(%arg11 : memref<!tpu.dma_semaphore, #tpu.memory_space<semaphore_mem>>)
      } else {
      }
      %mul3A_50 = arith.constant 80 : i32
      %mul3A_51 = arith.muli %scan3A_40, %mul3A_50 : i32
      %rem3A = arith.constant 2 : i32
      %rem3A_52 = arith.remsi %scan3A_40, %rem3A : i32
      %dma_wait3A_53 = arith.constant 0 : i32
      %dma_wait3A_54 = arith.constant 0 : i32
      %dma_wait3A_55 = tpu.memref_slice %arg9[%rem3A_52, %dma_wait3A_53, %dma_wait3A_54] : memref<2x80x128xf32, #tpu.memory_space<vmem>> -> memref<1x80x128xf32, #tpu.memory_space<vmem>>
      %dma_wait3A_56 = tpu.memref_squeeze %dma_wait3A_55 : memref<1x80x128xf32, #tpu.memory_space<vmem>> -> memref<80x128xf32, #tpu.memory_space<vmem>>
      %dma_wait3A_57 = tpu.memref_slice %arg7[%mul3A_51] : memref<10000xi32, #tpu.memory_space<vmem>> -> memref<80xi32, #tpu.memory_space<vmem>>
      %dma_wait3A_58 = arith.constant 0 : i32
      %dma_wait3A_59 = arith.constant 0 : i32
      %dma_wait3A_60 = tpu.memref_slice %arg4[%dma_wait3A_58, %dma_wait3A_59] : memref<10000x128xf32, #tpu.memory_space<hbm>> -> memref<10000x128xf32, #tpu.memory_space<hbm>>
      tpu.wait_indirect_dma semaphore(%arg11 : memref<!tpu.dma_semaphore, #tpu.memory_space<semaphore_mem>>) src(%dma_wait3A_60 : memref<10000x128xf32, #tpu.memory_space<hbm>>) dst(%dma_wait3A_56 : memref<80x128xf32, #tpu.memory_space<vmem>>)
      %rem3A_61 = arith.constant 2 : i32
      %rem3A_62 = arith.remsi %scan3A_40, %rem3A_61 : i32
      %dma_start3A_63 = arith.constant 0 : i32
      %dma_start3A_64 = arith.constant 0 : i32
      %dma_start3A_65 = tpu.memref_slice %arg9[%rem3A_62, %dma_start3A_63, %dma_start3A_64] : memref<2x80x128xf32, #tpu.memory_space<vmem>> -> memref<1x80x128xf32, #tpu.memory_space<vmem>>
      %dma_start3A_66 = tpu.memref_squeeze %dma_start3A_65 : memref<1x80x128xf32, #tpu.memory_space<vmem>> -> memref<80x128xf32, #tpu.memory_space<vmem>>
      %dma_start3A_67 = arith.constant 0 : i32
      %dma_start3A_68 = tpu.memref_slice %arg8[%scan3A_40, %dma_start3A_67] : memref<125x80xi32, #tpu.memory_space<vmem>> -> memref<1x80xi32, #tpu.memory_space<vmem>>
      %dma_start3A_69 = tpu.memref_squeeze %dma_start3A_68 : memref<1x80xi32, #tpu.memory_space<vmem>> -> memref<80xi32, #tpu.memory_space<vmem>>
      %dma_start3A_70 = arith.constant 0 : i32
      %dma_start3A_71 = arith.constant 0 : i32
      %dma_start3A_72 = tpu.memref_slice %arg10[%dma_start3A_70, %dma_start3A_71] : memref<10240x128xf32, #tpu.memory_space<vmem_shared>> -> memref<10240x128xf32, #tpu.memory_space<vmem_shared>>
      tpu.enqueue_indirect_dma source(%dma_start3A_66 : memref<80x128xf32, #tpu.memory_space<vmem>>) target(%dma_start3A_72 : memref<10240x128xf32, #tpu.memory_space<vmem_shared>>) offsets(%dma_start3A_69 : memref<80xi32, #tpu.memory_space<vmem>>) semaphore(%arg12 : memref<!tpu.dma_semaphore, #tpu.memory_space<semaphore_mem>>) {add = true}
      %scan3A_73 = arith.constant 0 : i32
      scf.yield %scan3A_73 : i32
    }
    %scan3A_27 = arith.constant 125 : i32
    %dma_wait3A = arith.constant 0 : i32
    %dma_wait3A_28 = arith.constant 124 : i32
    %dma_wait3A_29 = arith.constant 0 : i32
    %dma_wait3A_30 = arith.constant 0 : i32
    %dma_wait3A_31 = tpu.memref_slice %arg9[%dma_wait3A, %dma_wait3A_29, %dma_wait3A_30] : memref<2x80x128xf32, #tpu.memory_space<vmem>> -> memref<1x80x128xf32, #tpu.memory_space<vmem>>
    %dma_wait3A_32 = tpu.memref_squeeze %dma_wait3A_31 : memref<1x80x128xf32, #tpu.memory_space<vmem>> -> memref<80x128xf32, #tpu.memory_space<vmem>>
    %dma_wait3A_33 = arith.constant 0 : i32
    %dma_wait3A_34 = tpu.memref_slice %arg8[%dma_wait3A_28, %dma_wait3A_33] : memref<125x80xi32, #tpu.memory_space<vmem>> -> memref<1x80xi32, #tpu.memory_space<vmem>>
    %dma_wait3A_35 = tpu.memref_squeeze %dma_wait3A_34 : memref<1x80xi32, #tpu.memory_space<vmem>> -> memref<80xi32, #tpu.memory_space<vmem>>
    %dma_wait3A_36 = arith.constant 0 : i32
    %dma_wait3A_37 = arith.constant 0 : i32
    %dma_wait3A_38 = tpu.memref_slice %arg10[%dma_wait3A_36, %dma_wait3A_37] : memref<10240x128xf32, #tpu.memory_space<vmem_shared>> -> memref<10240x128xf32, #tpu.memory_space<vmem_shared>>
    tpu.wait_indirect_dma semaphore(%arg12 : memref<!tpu.dma_semaphore, #tpu.memory_space<semaphore_mem>>) src(%dma_wait3A_32 : memref<80x128xf32, #tpu.memory_space<vmem>>) dst(%dma_wait3A_38 : memref<10240x128xf32, #tpu.memory_space<vmem_shared>>)
    %barrier3A_39 = arith.constant 0 : index
    tpu.barrier barrier_id(%barrier3A_39)
    "tpu.region"() ({
      %run_scoped3A = tpu.sem_alloc : memref<!tpu.dma_semaphore, #tpu.memory_space<semaphore_mem>>
      %dma_start3A_40 = arith.constant 0 : i32
      %dma_start3A_41 = tpu.memref_slice %arg6[%arg0, %mul3A_2, %dma_start3A_40] : memref<2x10240x128xf32, #tpu.memory_space<hbm>> -> memref<1x640x128xf32, #tpu.memory_space<hbm>>
      %dma_start3A_42 = tpu.memref_squeeze %dma_start3A_41 : memref<1x640x128xf32, #tpu.memory_space<hbm>> -> memref<640x128xf32, #tpu.memory_space<hbm>>
      %dma_start3A_43 = arith.constant 0 : i32
      %dma_start3A_44 = tpu.memref_slice %arg10[%mul3A_2, %dma_start3A_43] : memref<10240x128xf32, #tpu.memory_space<vmem_shared>> -> memref<640x128xf32, #tpu.memory_space<vmem_shared>>
      tpu.enqueue_dma source(%dma_start3A_44 : memref<640x128xf32, #tpu.memory_space<vmem_shared>>) target(%dma_start3A_42 : memref<640x128xf32, #tpu.memory_space<hbm>>) target_semaphore(%run_scoped3A : memref<!tpu.dma_semaphore, #tpu.memory_space<semaphore_mem>>)
      %dma_wait3A_45 = arith.constant 0 : i32
      %dma_wait3A_46 = tpu.memref_slice %arg6[%arg0, %mul3A_2, %dma_wait3A_45] : memref<2x10240x128xf32, #tpu.memory_space<hbm>> -> memref<1x640x128xf32, #tpu.memory_space<hbm>>
      %dma_wait3A_47 = tpu.memref_squeeze %dma_wait3A_46 : memref<1x640x128xf32, #tpu.memory_space<hbm>> -> memref<640x128xf32, #tpu.memory_space<hbm>>
      %dma_wait3A_48 = arith.constant 0 : i32
      %dma_wait3A_49 = tpu.memref_slice %arg10[%mul3A_2, %dma_wait3A_48] : memref<10240x128xf32, #tpu.memory_space<vmem_shared>> -> memref<640x128xf32, #tpu.memory_space<vmem_shared>>
      tpu.wait_dma2 semaphore(%run_scoped3A : memref<!tpu.dma_semaphore, #tpu.memory_space<semaphore_mem>>) src(%dma_wait3A_49 : memref<640x128xf32, #tpu.memory_space<vmem_shared>>) dst(%dma_wait3A_47 : memref<640x128xf32, #tpu.memory_space<hbm>>)
      tpu.yield
    }) : () -> ()
    return
  }
}

#map = affine_map<(d0, d1) -> (0, 0, 0)>
#map1 = affine_map<(d0, d1) -> (0, 0)>
module attributes {stable_mosaic.version = 14 : i64} {
  func.func @_deg_kernel(%arg0: i32, %arg1: i32, %arg2: memref<32x125x80xi32, #tpu.memory_space<hbm>>, %arg3: memref<80x128xf32, #tpu.memory_space<hbm>>, %arg4: memref<128x128xf32, #tpu.memory_space<hbm>>, %arg5: memref<2x10240x128xf32, #tpu.memory_space<hbm>>, %arg6: memref<125x80xi32, #tpu.memory_space<vmem>>, %arg7: memref<80x128xf32, #tpu.memory_space<vmem>>, %arg8: memref<10240x128xf32, #tpu.memory_space<vmem_shared>>, %arg9: memref<!tpu.dma_semaphore, #tpu.memory_space<semaphore_mem>>) attributes {dimension_semantics = [#tpu.dimension_semantics<core_parallel>, #tpu.dimension_semantics<subcore_parallel>], iteration_bounds = array<i64: 2, 16>, scalar_prefetch = 0 : i64, scratch_operands = 4 : i64, tpu.core_type = #tpu.core_type<sc_vector_subcore>, window_params = [{transform_indices = #map}, {transform_indices = #map1}, {transform_indices = #map1}, {transform_indices = #map}]} {
    %mul3A = arith.constant 2 : i32
    %mul3A_0 = arith.muli %arg1, %mul3A : i32
    %add3A = arith.addi %mul3A_0, %arg0 : i32
    "tpu.region"() ({
      %run_scoped3A = tpu.sem_alloc : memref<!tpu.dma_semaphore, #tpu.memory_space<semaphore_mem>>
      tpu.enqueue_dma source(%arg3 : memref<80x128xf32, #tpu.memory_space<hbm>>) target(%arg7 : memref<80x128xf32, #tpu.memory_space<vmem>>) target_semaphore(%run_scoped3A : memref<!tpu.dma_semaphore, #tpu.memory_space<semaphore_mem>>)
      tpu.wait_dma2 semaphore(%run_scoped3A : memref<!tpu.dma_semaphore, #tpu.memory_space<semaphore_mem>>) src(%arg3 : memref<80x128xf32, #tpu.memory_space<hbm>>) dst(%arg7 : memref<80x128xf32, #tpu.memory_space<vmem>>)
      tpu.yield
    }) : () -> ()
    "tpu.region"() ({
      %run_scoped3A = tpu.sem_alloc : memref<!tpu.dma_semaphore, #tpu.memory_space<semaphore_mem>>
      %dma_start3A = arith.constant 0 : i32
      %dma_start3A_47 = arith.constant 0 : i32
      %dma_start3A_48 = tpu.memref_slice %arg2[%add3A, %dma_start3A, %dma_start3A_47] : memref<32x125x80xi32, #tpu.memory_space<hbm>> -> memref<1x125x80xi32, #tpu.memory_space<hbm>>
      %dma_start3A_49 = tpu.memref_squeeze %dma_start3A_48 : memref<1x125x80xi32, #tpu.memory_space<hbm>> -> memref<125x80xi32, #tpu.memory_space<hbm>>
      %dma_start3A_50 = arith.constant 0 : i32
      %dma_start3A_51 = arith.constant 0 : i32
      %dma_start3A_52 = tpu.memref_slice %arg2[%add3A, %dma_start3A_50, %dma_start3A_51] : memref<32x125x80xi32, #tpu.memory_space<hbm>> -> memref<1x125x80xi32, #tpu.memory_space<hbm>>
      %dma_start3A_53 = tpu.memref_squeeze %dma_start3A_52 : memref<1x125x80xi32, #tpu.memory_space<hbm>> -> memref<125x80xi32, #tpu.memory_space<hbm>>
      tpu.enqueue_dma source(%dma_start3A_53 : memref<125x80xi32, #tpu.memory_space<hbm>>) target(%arg6 : memref<125x80xi32, #tpu.memory_space<vmem>>) target_semaphore(%run_scoped3A : memref<!tpu.dma_semaphore, #tpu.memory_space<semaphore_mem>>)
      %dma_wait3A_54 = arith.constant 0 : i32
      %dma_wait3A_55 = arith.constant 0 : i32
      %dma_wait3A_56 = tpu.memref_slice %arg2[%add3A, %dma_wait3A_54, %dma_wait3A_55] : memref<32x125x80xi32, #tpu.memory_space<hbm>> -> memref<1x125x80xi32, #tpu.memory_space<hbm>>
      %dma_wait3A_57 = tpu.memref_squeeze %dma_wait3A_56 : memref<1x125x80xi32, #tpu.memory_space<hbm>> -> memref<125x80xi32, #tpu.memory_space<hbm>>
      %dma_wait3A_58 = arith.constant 0 : i32
      %dma_wait3A_59 = arith.constant 0 : i32
      %dma_wait3A_60 = tpu.memref_slice %arg2[%add3A, %dma_wait3A_58, %dma_wait3A_59] : memref<32x125x80xi32, #tpu.memory_space<hbm>> -> memref<1x125x80xi32, #tpu.memory_space<hbm>>
      %dma_wait3A_61 = tpu.memref_squeeze %dma_wait3A_60 : memref<1x125x80xi32, #tpu.memory_space<hbm>> -> memref<125x80xi32, #tpu.memory_space<hbm>>
      tpu.wait_dma2 semaphore(%run_scoped3A : memref<!tpu.dma_semaphore, #tpu.memory_space<semaphore_mem>>) src(%dma_wait3A_61 : memref<125x80xi32, #tpu.memory_space<hbm>>) dst(%arg6 : memref<125x80xi32, #tpu.memory_space<vmem>>)
      tpu.yield
    }) : () -> ()
    %mul3A_1 = arith.constant 640 : i32
    %mul3A_2 = arith.muli %arg1, %mul3A_1 : i32
    %add3A_3 = arith.constant 0 : i32
    %add3A_4 = arith.addi %mul3A_2, %add3A_3 : i32
    "tpu.region"() ({
      %run_scoped3A = tpu.sem_alloc : memref<!tpu.dma_semaphore, #tpu.memory_space<semaphore_mem>>
      %dma_start3A = arith.constant 0 : i32
      %dma_start3A_47 = tpu.memref_slice %arg8[%add3A_4, %dma_start3A] : memref<10240x128xf32, #tpu.memory_space<vmem_shared>> -> memref<128x128xf32, #tpu.memory_space<vmem_shared>>
      tpu.enqueue_dma source(%arg4 : memref<128x128xf32, #tpu.memory_space<hbm>>) target(%dma_start3A_47 : memref<128x128xf32, #tpu.memory_space<vmem_shared>>) target_semaphore(%run_scoped3A : memref<!tpu.dma_semaphore, #tpu.memory_space<semaphore_mem>>)
      %dma_wait3A_48 = arith.constant 0 : i32
      %dma_wait3A_49 = tpu.memref_slice %arg8[%add3A_4, %dma_wait3A_48] : memref<10240x128xf32, #tpu.memory_space<vmem_shared>> -> memref<128x128xf32, #tpu.memory_space<vmem_shared>>
      tpu.wait_dma2 semaphore(%run_scoped3A : memref<!tpu.dma_semaphore, #tpu.memory_space<semaphore_mem>>) src(%arg4 : memref<128x128xf32, #tpu.memory_space<hbm>>) dst(%dma_wait3A_49 : memref<128x128xf32, #tpu.memory_space<vmem_shared>>)
      tpu.yield
    }) : () -> ()
    %add3A_5 = arith.constant 128 : i32
    %add3A_6 = arith.addi %mul3A_2, %add3A_5 : i32
    "tpu.region"() ({
      %run_scoped3A = tpu.sem_alloc : memref<!tpu.dma_semaphore, #tpu.memory_space<semaphore_mem>>
      %dma_start3A = arith.constant 0 : i32
      %dma_start3A_47 = tpu.memref_slice %arg8[%add3A_6, %dma_start3A] : memref<10240x128xf32, #tpu.memory_space<vmem_shared>> -> memref<128x128xf32, #tpu.memory_space<vmem_shared>>
      tpu.enqueue_dma source(%arg4 : memref<128x128xf32, #tpu.memory_space<hbm>>) target(%dma_start3A_47 : memref<128x128xf32, #tpu.memory_space<vmem_shared>>) target_semaphore(%run_scoped3A : memref<!tpu.dma_semaphore, #tpu.memory_space<semaphore_mem>>)
      %dma_wait3A_48 = arith.constant 0 : i32
      %dma_wait3A_49 = tpu.memref_slice %arg8[%add3A_6, %dma_wait3A_48] : memref<10240x128xf32, #tpu.memory_space<vmem_shared>> -> memref<128x128xf32, #tpu.memory_space<vmem_shared>>
      tpu.wait_dma2 semaphore(%run_scoped3A : memref<!tpu.dma_semaphore, #tpu.memory_space<semaphore_mem>>) src(%arg4 : memref<128x128xf32, #tpu.memory_space<hbm>>) dst(%dma_wait3A_49 : memref<128x128xf32, #tpu.memory_space<vmem_shared>>)
      tpu.yield
    }) : () -> ()
    %add3A_7 = arith.constant 256 : i32
    %add3A_8 = arith.addi %mul3A_2, %add3A_7 : i32
    "tpu.region"() ({
      %run_scoped3A = tpu.sem_alloc : memref<!tpu.dma_semaphore, #tpu.memory_space<semaphore_mem>>
      %dma_start3A = arith.constant 0 : i32
      %dma_start3A_47 = tpu.memref_slice %arg8[%add3A_8, %dma_start3A] : memref<10240x128xf32, #tpu.memory_space<vmem_shared>> -> memref<128x128xf32, #tpu.memory_space<vmem_shared>>
      tpu.enqueue_dma source(%arg4 : memref<128x128xf32, #tpu.memory_space<hbm>>) target(%dma_start3A_47 : memref<128x128xf32, #tpu.memory_space<vmem_shared>>) target_semaphore(%run_scoped3A : memref<!tpu.dma_semaphore, #tpu.memory_space<semaphore_mem>>)
      %dma_wait3A_48 = arith.constant 0 : i32
      %dma_wait3A_49 = tpu.memref_slice %arg8[%add3A_8, %dma_wait3A_48] : memref<10240x128xf32, #tpu.memory_space<vmem_shared>> -> memref<128x128xf32, #tpu.memory_space<vmem_shared>>
      tpu.wait_dma2 semaphore(%run_scoped3A : memref<!tpu.dma_semaphore, #tpu.memory_space<semaphore_mem>>) src(%arg4 : memref<128x128xf32, #tpu.memory_space<hbm>>) dst(%dma_wait3A_49 : memref<128x128xf32, #tpu.memory_space<vmem_shared>>)
      tpu.yield
    }) : () -> ()
    %add3A_9 = arith.constant 384 : i32
    %add3A_10 = arith.addi %mul3A_2, %add3A_9 : i32
    "tpu.region"() ({
      %run_scoped3A = tpu.sem_alloc : memref<!tpu.dma_semaphore, #tpu.memory_space<semaphore_mem>>
      %dma_start3A = arith.constant 0 : i32
      %dma_start3A_47 = tpu.memref_slice %arg8[%add3A_10, %dma_start3A] : memref<10240x128xf32, #tpu.memory_space<vmem_shared>> -> memref<128x128xf32, #tpu.memory_space<vmem_shared>>
      tpu.enqueue_dma source(%arg4 : memref<128x128xf32, #tpu.memory_space<hbm>>) target(%dma_start3A_47 : memref<128x128xf32, #tpu.memory_space<vmem_shared>>) target_semaphore(%run_scoped3A : memref<!tpu.dma_semaphore, #tpu.memory_space<semaphore_mem>>)
      %dma_wait3A_48 = arith.constant 0 : i32
      %dma_wait3A_49 = tpu.memref_slice %arg8[%add3A_10, %dma_wait3A_48] : memref<10240x128xf32, #tpu.memory_space<vmem_shared>> -> memref<128x128xf32, #tpu.memory_space<vmem_shared>>
      tpu.wait_dma2 semaphore(%run_scoped3A : memref<!tpu.dma_semaphore, #tpu.memory_space<semaphore_mem>>) src(%arg4 : memref<128x128xf32, #tpu.memory_space<hbm>>) dst(%dma_wait3A_49 : memref<128x128xf32, #tpu.memory_space<vmem_shared>>)
      tpu.yield
    }) : () -> ()
    %add3A_11 = arith.constant 512 : i32
    %add3A_12 = arith.addi %mul3A_2, %add3A_11 : i32
    "tpu.region"() ({
      %run_scoped3A = tpu.sem_alloc : memref<!tpu.dma_semaphore, #tpu.memory_space<semaphore_mem>>
      %dma_start3A = arith.constant 0 : i32
      %dma_start3A_47 = tpu.memref_slice %arg8[%add3A_12, %dma_start3A] : memref<10240x128xf32, #tpu.memory_space<vmem_shared>> -> memref<128x128xf32, #tpu.memory_space<vmem_shared>>
      tpu.enqueue_dma source(%arg4 : memref<128x128xf32, #tpu.memory_space<hbm>>) target(%dma_start3A_47 : memref<128x128xf32, #tpu.memory_space<vmem_shared>>) target_semaphore(%run_scoped3A : memref<!tpu.dma_semaphore, #tpu.memory_space<semaphore_mem>>)
      %dma_wait3A_48 = arith.constant 0 : i32
      %dma_wait3A_49 = tpu.memref_slice %arg8[%add3A_12, %dma_wait3A_48] : memref<10240x128xf32, #tpu.memory_space<vmem_shared>> -> memref<128x128xf32, #tpu.memory_space<vmem_shared>>
      tpu.wait_dma2 semaphore(%run_scoped3A : memref<!tpu.dma_semaphore, #tpu.memory_space<semaphore_mem>>) src(%arg4 : memref<128x128xf32, #tpu.memory_space<hbm>>) dst(%dma_wait3A_49 : memref<128x128xf32, #tpu.memory_space<vmem_shared>>)
      tpu.yield
    }) : () -> ()
    %barrier3A = arith.constant 0 : index
    tpu.barrier barrier_id(%barrier3A)
    %scan3A = arith.constant 0 : i32
    %scan3A_13 = arith.constant 0 : i32
    %scan3A_14 = arith.constant 125 : i32
    %scan3A_15 = arith.addi %scan3A_13, %scan3A_14 : i32
    %scan3A_16 = arith.constant 1 : i32
    %scan3A_17 = scf.for %scan3A_47 = %scan3A_13 to %scan3A_15 step %scan3A_16 iter_args(%scan3A_48 = %scan3A) -> (i32)  : i32 {
      %dma_start3A = arith.constant 0 : i32
      %dma_start3A_49 = tpu.memref_slice %arg6[%scan3A_47, %dma_start3A] : memref<125x80xi32, #tpu.memory_space<vmem>> -> memref<1x80xi32, #tpu.memory_space<vmem>>
      %dma_start3A_50 = tpu.memref_squeeze %dma_start3A_49 : memref<1x80xi32, #tpu.memory_space<vmem>> -> memref<80xi32, #tpu.memory_space<vmem>>
      %dma_start3A_51 = arith.constant 0 : i32
      %dma_start3A_52 = arith.constant 0 : i32
      %dma_start3A_53 = tpu.memref_slice %arg8[%dma_start3A_51, %dma_start3A_52] : memref<10240x128xf32, #tpu.memory_space<vmem_shared>> -> memref<10240x128xf32, #tpu.memory_space<vmem_shared>>
      tpu.enqueue_indirect_dma source(%arg7 : memref<80x128xf32, #tpu.memory_space<vmem>>) target(%dma_start3A_53 : memref<10240x128xf32, #tpu.memory_space<vmem_shared>>) offsets(%dma_start3A_50 : memref<80xi32, #tpu.memory_space<vmem>>) semaphore(%arg9 : memref<!tpu.dma_semaphore, #tpu.memory_space<semaphore_mem>>) {add = true}
      %ge3A = arith.constant 4 : i32
      %ge3A_54 = arith.cmpi sge, %scan3A_47, %ge3A : i32
      %convert_element_type3A = arith.extui %ge3A_54 : i1 to i32
      %cond3A = arith.constant 0 : i32
      %cond3A_55 = arith.cmpi ne, %convert_element_type3A, %cond3A : i32
      scf.if %cond3A_55 {
        %sub3A = arith.constant 4 : i32
        %sub3A_57 = arith.subi %scan3A_47, %sub3A : i32
        %dma_wait3A_58 = arith.constant 0 : i32
        %dma_wait3A_59 = tpu.memref_slice %arg6[%sub3A_57, %dma_wait3A_58] : memref<125x80xi32, #tpu.memory_space<vmem>> -> memref<1x80xi32, #tpu.memory_space<vmem>>
        %dma_wait3A_60 = tpu.memref_squeeze %dma_wait3A_59 : memref<1x80xi32, #tpu.memory_space<vmem>> -> memref<80xi32, #tpu.memory_space<vmem>>
        %dma_wait3A_61 = arith.constant 0 : i32
        %dma_wait3A_62 = arith.constant 0 : i32
        %dma_wait3A_63 = tpu.memref_slice %arg8[%dma_wait3A_61, %dma_wait3A_62] : memref<10240x128xf32, #tpu.memory_space<vmem_shared>> -> memref<10240x128xf32, #tpu.memory_space<vmem_shared>>
        tpu.wait_indirect_dma semaphore(%arg9 : memref<!tpu.dma_semaphore, #tpu.memory_space<semaphore_mem>>) src(%arg7 : memref<80x128xf32, #tpu.memory_space<vmem>>) dst(%dma_wait3A_63 : memref<10240x128xf32, #tpu.memory_space<vmem_shared>>)
      } else {
      }
      %scan3A_56 = arith.constant 0 : i32
      scf.yield %scan3A_56 : i32
    }
    %scan3A_18 = arith.constant 125 : i32
    %dma_wait3A = arith.constant 121 : i32
    %dma_wait3A_19 = arith.constant 0 : i32
    %dma_wait3A_20 = tpu.memref_slice %arg6[%dma_wait3A, %dma_wait3A_19] : memref<125x80xi32, #tpu.memory_space<vmem>> -> memref<1x80xi32, #tpu.memory_space<vmem>>
    %dma_wait3A_21 = tpu.memref_squeeze %dma_wait3A_20 : memref<1x80xi32, #tpu.memory_space<vmem>> -> memref<80xi32, #tpu.memory_space<vmem>>
    %dma_wait3A_22 = arith.constant 0 : i32
    %dma_wait3A_23 = arith.constant 0 : i32
    %dma_wait3A_24 = tpu.memref_slice %arg8[%dma_wait3A_22, %dma_wait3A_23] : memref<10240x128xf32, #tpu.memory_space<vmem_shared>> -> memref<10240x128xf32, #tpu.memory_space<vmem_shared>>
    tpu.wait_indirect_dma semaphore(%arg9 : memref<!tpu.dma_semaphore, #tpu.memory_space<semaphore_mem>>) src(%arg7 : memref<80x128xf32, #tpu.memory_space<vmem>>) dst(%dma_wait3A_24 : memref<10240x128xf32, #tpu.memory_space<vmem_shared>>)
    %dma_wait3A_25 = arith.constant 122 : i32
    %dma_wait3A_26 = arith.constant 0 : i32
    %dma_wait3A_27 = tpu.memref_slice %arg6[%dma_wait3A_25, %dma_wait3A_26] : memref<125x80xi32, #tpu.memory_space<vmem>> -> memref<1x80xi32, #tpu.memory_space<vmem>>
    %dma_wait3A_28 = tpu.memref_squeeze %dma_wait3A_27 : memref<1x80xi32, #tpu.memory_space<vmem>> -> memref<80xi32, #tpu.memory_space<vmem>>
    %dma_wait3A_29 = arith.constant 0 : i32
    %dma_wait3A_30 = arith.constant 0 : i32
    %dma_wait3A_31 = tpu.memref_slice %arg8[%dma_wait3A_29, %dma_wait3A_30] : memref<10240x128xf32, #tpu.memory_space<vmem_shared>> -> memref<10240x128xf32, #tpu.memory_space<vmem_shared>>
    tpu.wait_indirect_dma semaphore(%arg9 : memref<!tpu.dma_semaphore, #tpu.memory_space<semaphore_mem>>) src(%arg7 : memref<80x128xf32, #tpu.memory_space<vmem>>) dst(%dma_wait3A_31 : memref<10240x128xf32, #tpu.memory_space<vmem_shared>>)
    %dma_wait3A_32 = arith.constant 123 : i32
    %dma_wait3A_33 = arith.constant 0 : i32
    %dma_wait3A_34 = tpu.memref_slice %arg6[%dma_wait3A_32, %dma_wait3A_33] : memref<125x80xi32, #tpu.memory_space<vmem>> -> memref<1x80xi32, #tpu.memory_space<vmem>>
    %dma_wait3A_35 = tpu.memref_squeeze %dma_wait3A_34 : memref<1x80xi32, #tpu.memory_space<vmem>> -> memref<80xi32, #tpu.memory_space<vmem>>
    %dma_wait3A_36 = arith.constant 0 : i32
    %dma_wait3A_37 = arith.constant 0 : i32
    %dma_wait3A_38 = tpu.memref_slice %arg8[%dma_wait3A_36, %dma_wait3A_37] : memref<10240x128xf32, #tpu.memory_space<vmem_shared>> -> memref<10240x128xf32, #tpu.memory_space<vmem_shared>>
    tpu.wait_indirect_dma semaphore(%arg9 : memref<!tpu.dma_semaphore, #tpu.memory_space<semaphore_mem>>) src(%arg7 : memref<80x128xf32, #tpu.memory_space<vmem>>) dst(%dma_wait3A_38 : memref<10240x128xf32, #tpu.memory_space<vmem_shared>>)
    %dma_wait3A_39 = arith.constant 124 : i32
    %dma_wait3A_40 = arith.constant 0 : i32
    %dma_wait3A_41 = tpu.memref_slice %arg6[%dma_wait3A_39, %dma_wait3A_40] : memref<125x80xi32, #tpu.memory_space<vmem>> -> memref<1x80xi32, #tpu.memory_space<vmem>>
    %dma_wait3A_42 = tpu.memref_squeeze %dma_wait3A_41 : memref<1x80xi32, #tpu.memory_space<vmem>> -> memref<80xi32, #tpu.memory_space<vmem>>
    %dma_wait3A_43 = arith.constant 0 : i32
    %dma_wait3A_44 = arith.constant 0 : i32
    %dma_wait3A_45 = tpu.memref_slice %arg8[%dma_wait3A_43, %dma_wait3A_44] : memref<10240x128xf32, #tpu.memory_space<vmem_shared>> -> memref<10240x128xf32, #tpu.memory_space<vmem_shared>>
    tpu.wait_indirect_dma semaphore(%arg9 : memref<!tpu.dma_semaphore, #tpu.memory_space<semaphore_mem>>) src(%arg7 : memref<80x128xf32, #tpu.memory_space<vmem>>) dst(%dma_wait3A_45 : memref<10240x128xf32, #tpu.memory_space<vmem_shared>>)
    %barrier3A_46 = arith.constant 0 : index
    tpu.barrier barrier_id(%barrier3A_46)
    "tpu.region"() ({
      %run_scoped3A = tpu.sem_alloc : memref<!tpu.dma_semaphore, #tpu.memory_space<semaphore_mem>>
      %dma_start3A = arith.constant 0 : i32
      %dma_start3A_47 = tpu.memref_slice %arg5[%arg0, %mul3A_2, %dma_start3A] : memref<2x10240x128xf32, #tpu.memory_space<hbm>> -> memref<1x640x128xf32, #tpu.memory_space<hbm>>
      %dma_start3A_48 = tpu.memref_squeeze %dma_start3A_47 : memref<1x640x128xf32, #tpu.memory_space<hbm>> -> memref<640x128xf32, #tpu.memory_space<hbm>>
      %dma_start3A_49 = arith.constant 0 : i32
      %dma_start3A_50 = tpu.memref_slice %arg8[%mul3A_2, %dma_start3A_49] : memref<10240x128xf32, #tpu.memory_space<vmem_shared>> -> memref<640x128xf32, #tpu.memory_space<vmem_shared>>
      tpu.enqueue_dma source(%dma_start3A_50 : memref<640x128xf32, #tpu.memory_space<vmem_shared>>) target(%dma_start3A_48 : memref<640x128xf32, #tpu.memory_space<hbm>>) target_semaphore(%run_scoped3A : memref<!tpu.dma_semaphore, #tpu.memory_space<semaphore_mem>>)
      %dma_wait3A_51 = arith.constant 0 : i32
      %dma_wait3A_52 = tpu.memref_slice %arg5[%arg0, %mul3A_2, %dma_wait3A_51] : memref<2x10240x128xf32, #tpu.memory_space<hbm>> -> memref<1x640x128xf32, #tpu.memory_space<hbm>>
      %dma_wait3A_53 = tpu.memref_squeeze %dma_wait3A_52 : memref<1x640x128xf32, #tpu.memory_space<hbm>> -> memref<640x128xf32, #tpu.memory_space<hbm>>
      %dma_wait3A_54 = arith.constant 0 : i32
      %dma_wait3A_55 = tpu.memref_slice %arg8[%mul3A_2, %dma_wait3A_54] : memref<10240x128xf32, #tpu.memory_space<vmem_shared>> -> memref<640x128xf32, #tpu.memory_space<vmem_shared>>
      tpu.wait_dma2 semaphore(%run_scoped3A : memref<!tpu.dma_semaphore, #tpu.memory_space<semaphore_mem>>) src(%dma_wait3A_55 : memref<640x128xf32, #tpu.memory_space<vmem_shared>>) dst(%dma_wait3A_53 : memref<640x128xf32, #tpu.memory_space<hbm>>)
      tpu.yield
    }) : () -> ()
    return
  }
}

#map = affine_map<(d0, d1) -> (0, 0)>
#map1 = affine_map<(d0, d1) -> (0, 0, 0)>
module attributes {stable_mosaic.version = 14 : i64} {
  func.func @_agg_kernel(%arg0: i32, %arg1: i32, %arg2: memref<32x10000xi32, #tpu.memory_space<hbm>>, %arg3: memref<32x125x80xi32, #tpu.memory_space<hbm>>, %arg4: memref<10000x128xf32, #tpu.memory_space<hbm>>, %arg5: memref<128x128xf32, #tpu.memory_space<hbm>>, %arg6: memref<2x10240x128xf32, #tpu.memory_space<hbm>>, %arg7: memref<10000xi32, #tpu.memory_space<vmem>>, %arg8: memref<125x80xi32, #tpu.memory_space<vmem>>, %arg9: memref<2x80x128xf32, #tpu.memory_space<vmem>>, %arg10: memref<10240x128xf32, #tpu.memory_space<vmem_shared>>, %arg11: memref<!tpu.dma_semaphore, #tpu.memory_space<semaphore_mem>>, %arg12: memref<!tpu.dma_semaphore, #tpu.memory_space<semaphore_mem>>) attributes {dimension_semantics = [#tpu.dimension_semantics<core_parallel>, #tpu.dimension_semantics<subcore_parallel>], iteration_bounds = array<i64: 2, 16>, scalar_prefetch = 0 : i64, scratch_operands = 6 : i64, tpu.core_type = #tpu.core_type<sc_vector_subcore>, window_params = [{transform_indices = #map}, {transform_indices = #map1}, {transform_indices = #map}, {transform_indices = #map}, {transform_indices = #map1}]} {
    %mul3A = arith.constant 2 : i32
    %mul3A_0 = arith.muli %arg1, %mul3A : i32
    %add3A = arith.addi %mul3A_0, %arg0 : i32
    "tpu.region"() ({
      %run_scoped3A = tpu.sem_alloc : memref<!tpu.dma_semaphore, #tpu.memory_space<semaphore_mem>>
      %dma_start3A_40 = arith.constant 0 : i32
      %dma_start3A_41 = tpu.memref_slice %arg2[%add3A, %dma_start3A_40] : memref<32x10000xi32, #tpu.memory_space<hbm>> -> memref<1x10000xi32, #tpu.memory_space<hbm>>
      %dma_start3A_42 = tpu.memref_squeeze %dma_start3A_41 : memref<1x10000xi32, #tpu.memory_space<hbm>> -> memref<10000xi32, #tpu.memory_space<hbm>>
      %dma_start3A_43 = arith.constant 0 : i32
      %dma_start3A_44 = tpu.memref_slice %arg2[%add3A, %dma_start3A_43] : memref<32x10000xi32, #tpu.memory_space<hbm>> -> memref<1x10000xi32, #tpu.memory_space<hbm>>
      %dma_start3A_45 = tpu.memref_squeeze %dma_start3A_44 : memref<1x10000xi32, #tpu.memory_space<hbm>> -> memref<10000xi32, #tpu.memory_space<hbm>>
      tpu.enqueue_dma source(%dma_start3A_45 : memref<10000xi32, #tpu.memory_space<hbm>>) target(%arg7 : memref<10000xi32, #tpu.memory_space<vmem>>) target_semaphore(%run_scoped3A : memref<!tpu.dma_semaphore, #tpu.memory_space<semaphore_mem>>)
      %dma_wait3A_46 = arith.constant 0 : i32
      %dma_wait3A_47 = tpu.memref_slice %arg2[%add3A, %dma_wait3A_46] : memref<32x10000xi32, #tpu.memory_space<hbm>> -> memref<1x10000xi32, #tpu.memory_space<hbm>>
      %dma_wait3A_48 = tpu.memref_squeeze %dma_wait3A_47 : memref<1x10000xi32, #tpu.memory_space<hbm>> -> memref<10000xi32, #tpu.memory_space<hbm>>
      %dma_wait3A_49 = arith.constant 0 : i32
      %dma_wait3A_50 = tpu.memref_slice %arg2[%add3A, %dma_wait3A_49] : memref<32x10000xi32, #tpu.memory_space<hbm>> -> memref<1x10000xi32, #tpu.memory_space<hbm>>
      %dma_wait3A_51 = tpu.memref_squeeze %dma_wait3A_50 : memref<1x10000xi32, #tpu.memory_space<hbm>> -> memref<10000xi32, #tpu.memory_space<hbm>>
      tpu.wait_dma2 semaphore(%run_scoped3A : memref<!tpu.dma_semaphore, #tpu.memory_space<semaphore_mem>>) src(%dma_wait3A_51 : memref<10000xi32, #tpu.memory_space<hbm>>) dst(%arg7 : memref<10000xi32, #tpu.memory_space<vmem>>)
      tpu.yield
    }) : () -> ()
    "tpu.region"() ({
      %run_scoped3A = tpu.sem_alloc : memref<!tpu.dma_semaphore, #tpu.memory_space<semaphore_mem>>
      %dma_start3A_40 = arith.constant 0 : i32
      %dma_start3A_41 = arith.constant 0 : i32
      %dma_start3A_42 = tpu.memref_slice %arg3[%add3A, %dma_start3A_40, %dma_start3A_41] : memref<32x125x80xi32, #tpu.memory_space<hbm>> -> memref<1x125x80xi32, #tpu.memory_space<hbm>>
      %dma_start3A_43 = tpu.memref_squeeze %dma_start3A_42 : memref<1x125x80xi32, #tpu.memory_space<hbm>> -> memref<125x80xi32, #tpu.memory_space<hbm>>
      %dma_start3A_44 = arith.constant 0 : i32
      %dma_start3A_45 = arith.constant 0 : i32
      %dma_start3A_46 = tpu.memref_slice %arg3[%add3A, %dma_start3A_44, %dma_start3A_45] : memref<32x125x80xi32, #tpu.memory_space<hbm>> -> memref<1x125x80xi32, #tpu.memory_space<hbm>>
      %dma_start3A_47 = tpu.memref_squeeze %dma_start3A_46 : memref<1x125x80xi32, #tpu.memory_space<hbm>> -> memref<125x80xi32, #tpu.memory_space<hbm>>
      tpu.enqueue_dma source(%dma_start3A_47 : memref<125x80xi32, #tpu.memory_space<hbm>>) target(%arg8 : memref<125x80xi32, #tpu.memory_space<vmem>>) target_semaphore(%run_scoped3A : memref<!tpu.dma_semaphore, #tpu.memory_space<semaphore_mem>>)
      %dma_wait3A_48 = arith.constant 0 : i32
      %dma_wait3A_49 = arith.constant 0 : i32
      %dma_wait3A_50 = tpu.memref_slice %arg3[%add3A, %dma_wait3A_48, %dma_wait3A_49] : memref<32x125x80xi32, #tpu.memory_space<hbm>> -> memref<1x125x80xi32, #tpu.memory_space<hbm>>
      %dma_wait3A_51 = tpu.memref_squeeze %dma_wait3A_50 : memref<1x125x80xi32, #tpu.memory_space<hbm>> -> memref<125x80xi32, #tpu.memory_space<hbm>>
      %dma_wait3A_52 = arith.constant 0 : i32
      %dma_wait3A_53 = arith.constant 0 : i32
      %dma_wait3A_54 = tpu.memref_slice %arg3[%add3A, %dma_wait3A_52, %dma_wait3A_53] : memref<32x125x80xi32, #tpu.memory_space<hbm>> -> memref<1x125x80xi32, #tpu.memory_space<hbm>>
      %dma_wait3A_55 = tpu.memref_squeeze %dma_wait3A_54 : memref<1x125x80xi32, #tpu.memory_space<hbm>> -> memref<125x80xi32, #tpu.memory_space<hbm>>
      tpu.wait_dma2 semaphore(%run_scoped3A : memref<!tpu.dma_semaphore, #tpu.memory_space<semaphore_mem>>) src(%dma_wait3A_55 : memref<125x80xi32, #tpu.memory_space<hbm>>) dst(%arg8 : memref<125x80xi32, #tpu.memory_space<vmem>>)
      tpu.yield
    }) : () -> ()
    %mul3A_1 = arith.constant 640 : i32
    %mul3A_2 = arith.muli %arg1, %mul3A_1 : i32
    %add3A_3 = arith.constant 0 : i32
    %add3A_4 = arith.addi %mul3A_2, %add3A_3 : i32
    "tpu.region"() ({
      %run_scoped3A = tpu.sem_alloc : memref<!tpu.dma_semaphore, #tpu.memory_space<semaphore_mem>>
      %dma_start3A_40 = arith.constant 0 : i32
      %dma_start3A_41 = tpu.memref_slice %arg10[%add3A_4, %dma_start3A_40] : memref<10240x128xf32, #tpu.memory_space<vmem_shared>> -> memref<128x128xf32, #tpu.memory_space<vmem_shared>>
      tpu.enqueue_dma source(%arg5 : memref<128x128xf32, #tpu.memory_space<hbm>>) target(%dma_start3A_41 : memref<128x128xf32, #tpu.memory_space<vmem_shared>>) target_semaphore(%run_scoped3A : memref<!tpu.dma_semaphore, #tpu.memory_space<semaphore_mem>>)
      %dma_wait3A_42 = arith.constant 0 : i32
      %dma_wait3A_43 = tpu.memref_slice %arg10[%add3A_4, %dma_wait3A_42] : memref<10240x128xf32, #tpu.memory_space<vmem_shared>> -> memref<128x128xf32, #tpu.memory_space<vmem_shared>>
      tpu.wait_dma2 semaphore(%run_scoped3A : memref<!tpu.dma_semaphore, #tpu.memory_space<semaphore_mem>>) src(%arg5 : memref<128x128xf32, #tpu.memory_space<hbm>>) dst(%dma_wait3A_43 : memref<128x128xf32, #tpu.memory_space<vmem_shared>>)
      tpu.yield
    }) : () -> ()
    %add3A_5 = arith.constant 128 : i32
    %add3A_6 = arith.addi %mul3A_2, %add3A_5 : i32
    "tpu.region"() ({
      %run_scoped3A = tpu.sem_alloc : memref<!tpu.dma_semaphore, #tpu.memory_space<semaphore_mem>>
      %dma_start3A_40 = arith.constant 0 : i32
      %dma_start3A_41 = tpu.memref_slice %arg10[%add3A_6, %dma_start3A_40] : memref<10240x128xf32, #tpu.memory_space<vmem_shared>> -> memref<128x128xf32, #tpu.memory_space<vmem_shared>>
      tpu.enqueue_dma source(%arg5 : memref<128x128xf32, #tpu.memory_space<hbm>>) target(%dma_start3A_41 : memref<128x128xf32, #tpu.memory_space<vmem_shared>>) target_semaphore(%run_scoped3A : memref<!tpu.dma_semaphore, #tpu.memory_space<semaphore_mem>>)
      %dma_wait3A_42 = arith.constant 0 : i32
      %dma_wait3A_43 = tpu.memref_slice %arg10[%add3A_6, %dma_wait3A_42] : memref<10240x128xf32, #tpu.memory_space<vmem_shared>> -> memref<128x128xf32, #tpu.memory_space<vmem_shared>>
      tpu.wait_dma2 semaphore(%run_scoped3A : memref<!tpu.dma_semaphore, #tpu.memory_space<semaphore_mem>>) src(%arg5 : memref<128x128xf32, #tpu.memory_space<hbm>>) dst(%dma_wait3A_43 : memref<128x128xf32, #tpu.memory_space<vmem_shared>>)
      tpu.yield
    }) : () -> ()
    %add3A_7 = arith.constant 256 : i32
    %add3A_8 = arith.addi %mul3A_2, %add3A_7 : i32
    "tpu.region"() ({
      %run_scoped3A = tpu.sem_alloc : memref<!tpu.dma_semaphore, #tpu.memory_space<semaphore_mem>>
      %dma_start3A_40 = arith.constant 0 : i32
      %dma_start3A_41 = tpu.memref_slice %arg10[%add3A_8, %dma_start3A_40] : memref<10240x128xf32, #tpu.memory_space<vmem_shared>> -> memref<128x128xf32, #tpu.memory_space<vmem_shared>>
      tpu.enqueue_dma source(%arg5 : memref<128x128xf32, #tpu.memory_space<hbm>>) target(%dma_start3A_41 : memref<128x128xf32, #tpu.memory_space<vmem_shared>>) target_semaphore(%run_scoped3A : memref<!tpu.dma_semaphore, #tpu.memory_space<semaphore_mem>>)
      %dma_wait3A_42 = arith.constant 0 : i32
      %dma_wait3A_43 = tpu.memref_slice %arg10[%add3A_8, %dma_wait3A_42] : memref<10240x128xf32, #tpu.memory_space<vmem_shared>> -> memref<128x128xf32, #tpu.memory_space<vmem_shared>>
      tpu.wait_dma2 semaphore(%run_scoped3A : memref<!tpu.dma_semaphore, #tpu.memory_space<semaphore_mem>>) src(%arg5 : memref<128x128xf32, #tpu.memory_space<hbm>>) dst(%dma_wait3A_43 : memref<128x128xf32, #tpu.memory_space<vmem_shared>>)
      tpu.yield
    }) : () -> ()
    %add3A_9 = arith.constant 384 : i32
    %add3A_10 = arith.addi %mul3A_2, %add3A_9 : i32
    "tpu.region"() ({
      %run_scoped3A = tpu.sem_alloc : memref<!tpu.dma_semaphore, #tpu.memory_space<semaphore_mem>>
      %dma_start3A_40 = arith.constant 0 : i32
      %dma_start3A_41 = tpu.memref_slice %arg10[%add3A_10, %dma_start3A_40] : memref<10240x128xf32, #tpu.memory_space<vmem_shared>> -> memref<128x128xf32, #tpu.memory_space<vmem_shared>>
      tpu.enqueue_dma source(%arg5 : memref<128x128xf32, #tpu.memory_space<hbm>>) target(%dma_start3A_41 : memref<128x128xf32, #tpu.memory_space<vmem_shared>>) target_semaphore(%run_scoped3A : memref<!tpu.dma_semaphore, #tpu.memory_space<semaphore_mem>>)
      %dma_wait3A_42 = arith.constant 0 : i32
      %dma_wait3A_43 = tpu.memref_slice %arg10[%add3A_10, %dma_wait3A_42] : memref<10240x128xf32, #tpu.memory_space<vmem_shared>> -> memref<128x128xf32, #tpu.memory_space<vmem_shared>>
      tpu.wait_dma2 semaphore(%run_scoped3A : memref<!tpu.dma_semaphore, #tpu.memory_space<semaphore_mem>>) src(%arg5 : memref<128x128xf32, #tpu.memory_space<hbm>>) dst(%dma_wait3A_43 : memref<128x128xf32, #tpu.memory_space<vmem_shared>>)
      tpu.yield
    }) : () -> ()
    %add3A_11 = arith.constant 512 : i32
    %add3A_12 = arith.addi %mul3A_2, %add3A_11 : i32
    "tpu.region"() ({
      %run_scoped3A = tpu.sem_alloc : memref<!tpu.dma_semaphore, #tpu.memory_space<semaphore_mem>>
      %dma_start3A_40 = arith.constant 0 : i32
      %dma_start3A_41 = tpu.memref_slice %arg10[%add3A_12, %dma_start3A_40] : memref<10240x128xf32, #tpu.memory_space<vmem_shared>> -> memref<128x128xf32, #tpu.memory_space<vmem_shared>>
      tpu.enqueue_dma source(%arg5 : memref<128x128xf32, #tpu.memory_space<hbm>>) target(%dma_start3A_41 : memref<128x128xf32, #tpu.memory_space<vmem_shared>>) target_semaphore(%run_scoped3A : memref<!tpu.dma_semaphore, #tpu.memory_space<semaphore_mem>>)
      %dma_wait3A_42 = arith.constant 0 : i32
      %dma_wait3A_43 = tpu.memref_slice %arg10[%add3A_12, %dma_wait3A_42] : memref<10240x128xf32, #tpu.memory_space<vmem_shared>> -> memref<128x128xf32, #tpu.memory_space<vmem_shared>>
      tpu.wait_dma2 semaphore(%run_scoped3A : memref<!tpu.dma_semaphore, #tpu.memory_space<semaphore_mem>>) src(%arg5 : memref<128x128xf32, #tpu.memory_space<hbm>>) dst(%dma_wait3A_43 : memref<128x128xf32, #tpu.memory_space<vmem_shared>>)
      tpu.yield
    }) : () -> ()
    %barrier3A = arith.constant 0 : index
    tpu.barrier barrier_id(%barrier3A)
    %dma_start3A = arith.constant 0 : i32
    %dma_start3A_13 = arith.constant 0 : i32
    %dma_start3A_14 = arith.constant 0 : i32
    %dma_start3A_15 = tpu.memref_slice %arg9[%dma_start3A, %dma_start3A_13, %dma_start3A_14] : memref<2x80x128xf32, #tpu.memory_space<vmem>> -> memref<1x80x128xf32, #tpu.memory_space<vmem>>
    %dma_start3A_16 = tpu.memref_squeeze %dma_start3A_15 : memref<1x80x128xf32, #tpu.memory_space<vmem>> -> memref<80x128xf32, #tpu.memory_space<vmem>>
    %dma_start3A_17 = arith.constant 0 : i32
    %dma_start3A_18 = tpu.memref_slice %arg7[%dma_start3A_17] : memref<10000xi32, #tpu.memory_space<vmem>> -> memref<80xi32, #tpu.memory_space<vmem>>
    %dma_start3A_19 = arith.constant 0 : i32
    %dma_start3A_20 = arith.constant 0 : i32
    %dma_start3A_21 = tpu.memref_slice %arg4[%dma_start3A_19, %dma_start3A_20] : memref<10000x128xf32, #tpu.memory_space<hbm>> -> memref<10000x128xf32, #tpu.memory_space<hbm>>
    tpu.enqueue_indirect_dma source(%dma_start3A_21 : memref<10000x128xf32, #tpu.memory_space<hbm>>) target(%dma_start3A_16 : memref<80x128xf32, #tpu.memory_space<vmem>>) offsets(%dma_start3A_18 : memref<80xi32, #tpu.memory_space<vmem>>) semaphore(%arg11 : memref<!tpu.dma_semaphore, #tpu.memory_space<semaphore_mem>>)
    %scan3A = arith.constant 0 : i32
    %scan3A_22 = arith.constant 0 : i32
    %scan3A_23 = arith.constant 125 : i32
    %scan3A_24 = arith.addi %scan3A_22, %scan3A_23 : i32
    %scan3A_25 = arith.constant 1 : i32
    %scan3A_26 = scf.for %scan3A_40 = %scan3A_22 to %scan3A_24 step %scan3A_25 iter_args(%scan3A_41 = %scan3A) -> (i32)  : i32 {
      %ge3A = arith.constant 1 : i32
      %ge3A_42 = arith.cmpi sge, %scan3A_40, %ge3A : i32
      %convert_element_type3A = arith.extui %ge3A_42 : i1 to i32
      %cond3A = arith.constant 0 : i32
      %cond3A_43 = arith.cmpi ne, %convert_element_type3A, %cond3A : i32
      scf.if %cond3A_43 {
        %sub3A = arith.constant 1 : i32
        %sub3A_74 = arith.subi %scan3A_40, %sub3A : i32
        %rem3A_75 = arith.constant 2 : i32
        %rem3A_76 = arith.remsi %sub3A_74, %rem3A_75 : i32
        %sub3A_77 = arith.constant 1 : i32
        %sub3A_78 = arith.subi %scan3A_40, %sub3A_77 : i32
        %dma_wait3A_79 = arith.constant 0 : i32
        %dma_wait3A_80 = arith.constant 0 : i32
        %dma_wait3A_81 = tpu.memref_slice %arg9[%rem3A_76, %dma_wait3A_79, %dma_wait3A_80] : memref<2x80x128xf32, #tpu.memory_space<vmem>> -> memref<1x80x128xf32, #tpu.memory_space<vmem>>
        %dma_wait3A_82 = tpu.memref_squeeze %dma_wait3A_81 : memref<1x80x128xf32, #tpu.memory_space<vmem>> -> memref<80x128xf32, #tpu.memory_space<vmem>>
        %dma_wait3A_83 = arith.constant 0 : i32
        %dma_wait3A_84 = tpu.memref_slice %arg8[%sub3A_78, %dma_wait3A_83] : memref<125x80xi32, #tpu.memory_space<vmem>> -> memref<1x80xi32, #tpu.memory_space<vmem>>
        %dma_wait3A_85 = tpu.memref_squeeze %dma_wait3A_84 : memref<1x80xi32, #tpu.memory_space<vmem>> -> memref<80xi32, #tpu.memory_space<vmem>>
        %dma_wait3A_86 = arith.constant 0 : i32
        %dma_wait3A_87 = arith.constant 0 : i32
        %dma_wait3A_88 = tpu.memref_slice %arg10[%dma_wait3A_86, %dma_wait3A_87] : memref<10240x128xf32, #tpu.memory_space<vmem_shared>> -> memref<10240x128xf32, #tpu.memory_space<vmem_shared>>
        tpu.wait_indirect_dma semaphore(%arg12 : memref<!tpu.dma_semaphore, #tpu.memory_space<semaphore_mem>>) src(%dma_wait3A_82 : memref<80x128xf32, #tpu.memory_space<vmem>>) dst(%dma_wait3A_88 : memref<10240x128xf32, #tpu.memory_space<vmem_shared>>)
      } else {
      }
      %add3A_44 = arith.constant 1 : i32
      %add3A_45 = arith.addi %scan3A_40, %add3A_44 : i32
      %lt3A = arith.constant 125 : i32
      %lt3A_46 = arith.cmpi slt, %add3A_45, %lt3A : i32
      %convert_element_type3A_47 = arith.extui %lt3A_46 : i1 to i32
      %cond3A_48 = arith.constant 0 : i32
      %cond3A_49 = arith.cmpi ne, %convert_element_type3A_47, %cond3A_48 : i32
      scf.if %cond3A_49 {
        %add3A_74 = arith.constant 1 : i32
        %add3A_75 = arith.addi %scan3A_40, %add3A_74 : i32
        %mul3A_76 = arith.constant 80 : i32
        %mul3A_77 = arith.muli %add3A_75, %mul3A_76 : i32
        %add3A_78 = arith.constant 1 : i32
        %add3A_79 = arith.addi %scan3A_40, %add3A_78 : i32
        %rem3A_80 = arith.constant 2 : i32
        %rem3A_81 = arith.remsi %add3A_79, %rem3A_80 : i32
        %dma_start3A_82 = arith.constant 0 : i32
        %dma_start3A_83 = arith.constant 0 : i32
        %dma_start3A_84 = tpu.memref_slice %arg9[%rem3A_81, %dma_start3A_82, %dma_start3A_83] : memref<2x80x128xf32, #tpu.memory_space<vmem>> -> memref<1x80x128xf32, #tpu.memory_space<vmem>>
        %dma_start3A_85 = tpu.memref_squeeze %dma_start3A_84 : memref<1x80x128xf32, #tpu.memory_space<vmem>> -> memref<80x128xf32, #tpu.memory_space<vmem>>
        %dma_start3A_86 = tpu.memref_slice %arg7[%mul3A_77] : memref<10000xi32, #tpu.memory_space<vmem>> -> memref<80xi32, #tpu.memory_space<vmem>>
        %dma_start3A_87 = arith.constant 0 : i32
        %dma_start3A_88 = arith.constant 0 : i32
        %dma_start3A_89 = tpu.memref_slice %arg4[%dma_start3A_87, %dma_start3A_88] : memref<10000x128xf32, #tpu.memory_space<hbm>> -> memref<10000x128xf32, #tpu.memory_space<hbm>>
        tpu.enqueue_indirect_dma source(%dma_start3A_89 : memref<10000x128xf32, #tpu.memory_space<hbm>>) target(%dma_start3A_85 : memref<80x128xf32, #tpu.memory_space<vmem>>) offsets(%dma_start3A_86 : memref<80xi32, #tpu.memory_space<vmem>>) semaphore(%arg11 : memref<!tpu.dma_semaphore, #tpu.memory_space<semaphore_mem>>)
      } else {
      }
      %mul3A_50 = arith.constant 80 : i32
      %mul3A_51 = arith.muli %scan3A_40, %mul3A_50 : i32
      %rem3A = arith.constant 2 : i32
      %rem3A_52 = arith.remsi %scan3A_40, %rem3A : i32
      %dma_wait3A_53 = arith.constant 0 : i32
      %dma_wait3A_54 = arith.constant 0 : i32
      %dma_wait3A_55 = tpu.memref_slice %arg9[%rem3A_52, %dma_wait3A_53, %dma_wait3A_54] : memref<2x80x128xf32, #tpu.memory_space<vmem>> -> memref<1x80x128xf32, #tpu.memory_space<vmem>>
      %dma_wait3A_56 = tpu.memref_squeeze %dma_wait3A_55 : memref<1x80x128xf32, #tpu.memory_space<vmem>> -> memref<80x128xf32, #tpu.memory_space<vmem>>
      %dma_wait3A_57 = tpu.memref_slice %arg7[%mul3A_51] : memref<10000xi32, #tpu.memory_space<vmem>> -> memref<80xi32, #tpu.memory_space<vmem>>
      %dma_wait3A_58 = arith.constant 0 : i32
      %dma_wait3A_59 = arith.constant 0 : i32
      %dma_wait3A_60 = tpu.memref_slice %arg4[%dma_wait3A_58, %dma_wait3A_59] : memref<10000x128xf32, #tpu.memory_space<hbm>> -> memref<10000x128xf32, #tpu.memory_space<hbm>>
      tpu.wait_indirect_dma semaphore(%arg11 : memref<!tpu.dma_semaphore, #tpu.memory_space<semaphore_mem>>) src(%dma_wait3A_60 : memref<10000x128xf32, #tpu.memory_space<hbm>>) dst(%dma_wait3A_56 : memref<80x128xf32, #tpu.memory_space<vmem>>)
      %rem3A_61 = arith.constant 2 : i32
      %rem3A_62 = arith.remsi %scan3A_40, %rem3A_61 : i32
      %dma_start3A_63 = arith.constant 0 : i32
      %dma_start3A_64 = arith.constant 0 : i32
      %dma_start3A_65 = tpu.memref_slice %arg9[%rem3A_62, %dma_start3A_63, %dma_start3A_64] : memref<2x80x128xf32, #tpu.memory_space<vmem>> -> memref<1x80x128xf32, #tpu.memory_space<vmem>>
      %dma_start3A_66 = tpu.memref_squeeze %dma_start3A_65 : memref<1x80x128xf32, #tpu.memory_space<vmem>> -> memref<80x128xf32, #tpu.memory_space<vmem>>
      %dma_start3A_67 = arith.constant 0 : i32
      %dma_start3A_68 = tpu.memref_slice %arg8[%scan3A_40, %dma_start3A_67] : memref<125x80xi32, #tpu.memory_space<vmem>> -> memref<1x80xi32, #tpu.memory_space<vmem>>
      %dma_start3A_69 = tpu.memref_squeeze %dma_start3A_68 : memref<1x80xi32, #tpu.memory_space<vmem>> -> memref<80xi32, #tpu.memory_space<vmem>>
      %dma_start3A_70 = arith.constant 0 : i32
      %dma_start3A_71 = arith.constant 0 : i32
      %dma_start3A_72 = tpu.memref_slice %arg10[%dma_start3A_70, %dma_start3A_71] : memref<10240x128xf32, #tpu.memory_space<vmem_shared>> -> memref<10240x128xf32, #tpu.memory_space<vmem_shared>>
      tpu.enqueue_indirect_dma source(%dma_start3A_66 : memref<80x128xf32, #tpu.memory_space<vmem>>) target(%dma_start3A_72 : memref<10240x128xf32, #tpu.memory_space<vmem_shared>>) offsets(%dma_start3A_69 : memref<80xi32, #tpu.memory_space<vmem>>) semaphore(%arg12 : memref<!tpu.dma_semaphore, #tpu.memory_space<semaphore_mem>>) {add = true}
      %scan3A_73 = arith.constant 0 : i32
      scf.yield %scan3A_73 : i32
    }
    %scan3A_27 = arith.constant 125 : i32
    %dma_wait3A = arith.constant 0 : i32
    %dma_wait3A_28 = arith.constant 124 : i32
    %dma_wait3A_29 = arith.constant 0 : i32
    %dma_wait3A_30 = arith.constant 0 : i32
    %dma_wait3A_31 = tpu.memref_slice %arg9[%dma_wait3A, %dma_wait3A_29, %dma_wait3A_30] : memref<2x80x128xf32, #tpu.memory_space<vmem>> -> memref<1x80x128xf32, #tpu.memory_space<vmem>>
    %dma_wait3A_32 = tpu.memref_squeeze %dma_wait3A_31 : memref<1x80x128xf32, #tpu.memory_space<vmem>> -> memref<80x128xf32, #tpu.memory_space<vmem>>
    %dma_wait3A_33 = arith.constant 0 : i32
    %dma_wait3A_34 = tpu.memref_slice %arg8[%dma_wait3A_28, %dma_wait3A_33] : memref<125x80xi32, #tpu.memory_space<vmem>> -> memref<1x80xi32, #tpu.memory_space<vmem>>
    %dma_wait3A_35 = tpu.memref_squeeze %dma_wait3A_34 : memref<1x80xi32, #tpu.memory_space<vmem>> -> memref<80xi32, #tpu.memory_space<vmem>>
    %dma_wait3A_36 = arith.constant 0 : i32
    %dma_wait3A_37 = arith.constant 0 : i32
    %dma_wait3A_38 = tpu.memref_slice %arg10[%dma_wait3A_36, %dma_wait3A_37] : memref<10240x128xf32, #tpu.memory_space<vmem_shared>> -> memref<10240x128xf32, #tpu.memory_space<vmem_shared>>
    tpu.wait_indirect_dma semaphore(%arg12 : memref<!tpu.dma_semaphore, #tpu.memory_space<semaphore_mem>>) src(%dma_wait3A_32 : memref<80x128xf32, #tpu.memory_space<vmem>>) dst(%dma_wait3A_38 : memref<10240x128xf32, #tpu.memory_space<vmem_shared>>)
    %barrier3A_39 = arith.constant 0 : index
    tpu.barrier barrier_id(%barrier3A_39)
    "tpu.region"() ({
      %run_scoped3A = tpu.sem_alloc : memref<!tpu.dma_semaphore, #tpu.memory_space<semaphore_mem>>
      %dma_start3A_40 = arith.constant 0 : i32
      %dma_start3A_41 = tpu.memref_slice %arg6[%arg0, %mul3A_2, %dma_start3A_40] : memref<2x10240x128xf32, #tpu.memory_space<hbm>> -> memref<1x640x128xf32, #tpu.memory_space<hbm>>
      %dma_start3A_42 = tpu.memref_squeeze %dma_start3A_41 : memref<1x640x128xf32, #tpu.memory_space<hbm>> -> memref<640x128xf32, #tpu.memory_space<hbm>>
      %dma_start3A_43 = arith.constant 0 : i32
      %dma_start3A_44 = tpu.memref_slice %arg10[%mul3A_2, %dma_start3A_43] : memref<10240x128xf32, #tpu.memory_space<vmem_shared>> -> memref<640x128xf32, #tpu.memory_space<vmem_shared>>
      tpu.enqueue_dma source(%dma_start3A_44 : memref<640x128xf32, #tpu.memory_space<vmem_shared>>) target(%dma_start3A_42 : memref<640x128xf32, #tpu.memory_space<hbm>>) target_semaphore(%run_scoped3A : memref<!tpu.dma_semaphore, #tpu.memory_space<semaphore_mem>>)
      %dma_wait3A_45 = arith.constant 0 : i32
      %dma_wait3A_46 = tpu.memref_slice %arg6[%arg0, %mul3A_2, %dma_wait3A_45] : memref<2x10240x128xf32, #tpu.memory_space<hbm>> -> memref<1x640x128xf32, #tpu.memory_space<hbm>>
      %dma_wait3A_47 = tpu.memref_squeeze %dma_wait3A_46 : memref<1x640x128xf32, #tpu.memory_space<hbm>> -> memref<640x128xf32, #tpu.memory_space<hbm>>
      %dma_wait3A_48 = arith.constant 0 : i32
      %dma_wait3A_49 = tpu.memref_slice %arg10[%mul3A_2, %dma_wait3A_48] : memref<10240x128xf32, #tpu.memory_space<vmem_shared>> -> memref<640x128xf32, #tpu.memory_space<vmem_shared>>
      tpu.wait_dma2 semaphore(%run_scoped3A : memref<!tpu.dma_semaphore, #tpu.memory_space<semaphore_mem>>) src(%dma_wait3A_49 : memref<640x128xf32, #tpu.memory_space<vmem_shared>>) dst(%dma_wait3A_47 : memref<640x128xf32, #tpu.memory_space<hbm>>)
      tpu.yield
    }) : () -> ()
    return
  }
}

module attributes {stable_mosaic.version = 14 : i64} {
  func.func @_tc1_body(%arg0: memref<2x10240x128xf32, #tpu.memory_space<vmem>>, %arg1: memref<10000x128xf32, #tpu.memory_space<vmem>>, %arg2: memref<10000x1xf32, #tpu.memory_space<vmem>>, %arg3: memref<10000x128xf32, #tpu.memory_space<vmem>>) attributes {dimension_semantics = [], scalar_prefetch = 0 : i64, scratch_operands = 0 : i64, tpu.core_type = #tpu.core_type<tc>} {
    %get3A = arith.constant 0 : index
    %get3A_0 = arith.constant 0 : index
    %get3A_1 = arith.constant 0 : index
    %get3A_2 = vector.load %arg0[%get3A, %get3A_0, %get3A_1] : memref<2x10240x128xf32, #tpu.memory_space<vmem>>, vector<1x10240x128xf32>
    %get3A_3 = vector.shape_cast %get3A_2 : vector<1x10240x128xf32> to vector<10240x128xf32>
    %get3A_4 = arith.constant 1 : index
    %get3A_5 = arith.constant 0 : index
    %get3A_6 = arith.constant 0 : index
    %get3A_7 = vector.load %arg0[%get3A_4, %get3A_5, %get3A_6] : memref<2x10240x128xf32, #tpu.memory_space<vmem>>, vector<1x10240x128xf32>
    %get3A_8 = vector.shape_cast %get3A_7 : vector<1x10240x128xf32> to vector<10240x128xf32>
    %add3A = arith.addf %get3A_3, %get3A_8 : vector<10240x128xf32>
    %slice3A = vector.extract_strided_slice %add3A {offsets = [0, 0], sizes = [10000, 1], strides = [1, 1]} : vector<10240x128xf32> to vector<10000x1xf32>
    %add3A_9 = arith.constant 1.000000e+00 : f32
    %add3A_10 = vector.broadcast %add3A_9 : f32 to vector<10000x1xf32>
    %add3A_11 = arith.addf %slice3A, %add3A_10 : vector<10000x1xf32>
    %max3A = arith.constant 1.000000e+00 : f32
    %max3A_12 = vector.broadcast %max3A : f32 to vector<10000x1xf32>
    %max3A_13 = arith.maximumf %add3A_11, %max3A_12 : vector<10000x1xf32>
    %rsqrt3A = math.rsqrt %max3A_13 : vector<10000x1xf32>
    %swap3A = arith.constant 0 : index
    %swap3A_14 = arith.constant 0 : index
    %swap3A_15 = vector.load %arg2[%swap3A, %swap3A_14] : memref<10000x1xf32, #tpu.memory_space<vmem>>, vector<10000x1xf32>
    tpu.vector_store %arg2[%swap3A, %swap3A_14], %rsqrt3A {strides = array<i32>} : memref<10000x1xf32, #tpu.memory_space<vmem>>, vector<10000x1xf32>,
    %get3A_16 = arith.constant 0 : index
    %get3A_17 = arith.constant 0 : index
    %get3A_18 = vector.load %arg1[%get3A_16, %get3A_17] : memref<10000x128xf32, #tpu.memory_space<vmem>>, vector<10000x128xf32>
    %mul3A = vector.broadcast %rsqrt3A : vector<10000x1xf32> to vector<10000x128xf32>
    %mul3A_19 = arith.mulf %get3A_18, %mul3A : vector<10000x128xf32>
    %swap3A_20 = arith.constant 0 : index
    %swap3A_21 = arith.constant 0 : index
    %swap3A_22 = vector.load %arg3[%swap3A_20, %swap3A_21] : memref<10000x128xf32, #tpu.memory_space<vmem>>, vector<10000x128xf32>
    tpu.vector_store %arg3[%swap3A_20, %swap3A_21], %mul3A_19 {strides = array<i32>} : memref<10000x128xf32, #tpu.memory_space<vmem>>, vector<10000x128xf32>,
    return
  }
}

module attributes {stable_mosaic.version = 14 : i64} {
  func.func @_tc2_body(%arg0: memref<2x10240x128xf32, #tpu.memory_space<vmem>>, %arg1: memref<10000x128xf32, #tpu.memory_space<vmem>>, %arg2: memref<10000x1xf32, #tpu.memory_space<vmem>>, %arg3: memref<128x256xf32, #tpu.memory_space<vmem>>, %arg4: memref<1x256xf32, #tpu.memory_space<vmem>>, %arg5: memref<256x128xf32, #tpu.memory_space<vmem>>, %arg6: memref<10000x128xf32, #tpu.memory_space<vmem>>) attributes {dimension_semantics = [], scalar_prefetch = 0 : i64, scratch_operands = 0 : i64, tpu.core_type = #tpu.core_type<tc>} {
    %get3A = arith.constant 0 : index
    %get3A_0 = arith.constant 0 : index
    %get3A_1 = vector.load %arg2[%get3A, %get3A_0] : memref<10000x1xf32, #tpu.memory_space<vmem>>, vector<10000x1xf32>
    %get3A_2 = arith.constant 0 : index
    %get3A_3 = arith.constant 0 : index
    %get3A_4 = arith.constant 0 : index
    %get3A_5 = vector.load %arg0[%get3A_2, %get3A_3, %get3A_4] : memref<2x10240x128xf32, #tpu.memory_space<vmem>>, vector<1x10240x128xf32>
    %get3A_6 = vector.shape_cast %get3A_5 : vector<1x10240x128xf32> to vector<10240x128xf32>
    %get3A_7 = arith.constant 1 : index
    %get3A_8 = arith.constant 0 : index
    %get3A_9 = arith.constant 0 : index
    %get3A_10 = vector.load %arg0[%get3A_7, %get3A_8, %get3A_9] : memref<2x10240x128xf32, #tpu.memory_space<vmem>>, vector<1x10240x128xf32>
    %get3A_11 = vector.shape_cast %get3A_10 : vector<1x10240x128xf32> to vector<10240x128xf32>
    %add3A = arith.addf %get3A_6, %get3A_11 : vector<10240x128xf32>
    %slice3A = vector.extract_strided_slice %add3A {offsets = [0, 0], sizes = [10000, 128], strides = [1, 1]} : vector<10240x128xf32> to vector<10000x128xf32>
    %get3A_12 = arith.constant 0 : index
    %get3A_13 = arith.constant 0 : index
    %get3A_14 = vector.load %arg1[%get3A_12, %get3A_13] : memref<10000x128xf32, #tpu.memory_space<vmem>>, vector<10000x128xf32>
    %add3A_15 = arith.addf %slice3A, %get3A_14 : vector<10000x128xf32>
    %mul3A = vector.broadcast %get3A_1 : vector<10000x1xf32> to vector<10000x128xf32>
    %mul3A_16 = arith.mulf %add3A_15, %mul3A : vector<10000x128xf32>
    %get3A_17 = arith.constant 0 : index
    %get3A_18 = arith.constant 0 : index
    %get3A_19 = vector.load %arg3[%get3A_17, %get3A_18] : memref<128x256xf32, #tpu.memory_space<vmem>>, vector<128x256xf32>
    %dot_general3A = arith.constant dense<0.000000e+00> : vector<10000x256xf32>
    %dot_general3A_20 = tpu.matmul %mul3A_16, %get3A_19, %dot_general3A {dimension_numbers = #tpu.dot_dimension_numbers<[1], [0], [0], [1], [0, 0, 1, 1], [], []>, transpose_lhs_hint = false} : vector<10000x128xf32>, vector<128x256xf32>, vector<10000x256xf32> -> vector<10000x256xf32>
    %get3A_21 = arith.constant 0 : index
    %get3A_22 = arith.constant 0 : index
    %get3A_23 = vector.load %arg4[%get3A_21, %get3A_22] : memref<1x256xf32, #tpu.memory_space<vmem>>, vector<1x256xf32>
    %add3A_24 = vector.broadcast %get3A_23 : vector<1x256xf32> to vector<10000x256xf32>
    %add3A_25 = arith.addf %dot_general3A_20, %add3A_24 : vector<10000x256xf32>
    %max3A = arith.constant 0.000000e+00 : f32
    %max3A_26 = vector.broadcast %max3A : f32 to vector<10000x256xf32>
    %max3A_27 = arith.maximumf %add3A_25, %max3A_26 : vector<10000x256xf32>
    %get3A_28 = arith.constant 0 : index
    %get3A_29 = arith.constant 0 : index
    %get3A_30 = vector.load %arg5[%get3A_28, %get3A_29] : memref<256x128xf32, #tpu.memory_space<vmem>>, vector<256x128xf32>
    %dot_general3A_31 = arith.constant dense<0.000000e+00> : vector<10000x128xf32>
    %dot_general3A_32 = tpu.matmul %max3A_27, %get3A_30, %dot_general3A_31 {dimension_numbers = #tpu.dot_dimension_numbers<[1], [0], [0], [1], [0, 0, 1, 1], [], []>, transpose_lhs_hint = false} : vector<10000x256xf32>, vector<256x128xf32>, vector<10000x128xf32> -> vector<10000x128xf32>
    %mul3A_33 = vector.broadcast %get3A_1 : vector<10000x1xf32> to vector<10000x128xf32>
    %mul3A_34 = arith.mulf %dot_general3A_32, %mul3A_33 : vector<10000x128xf32>
    %swap3A = arith.constant 0 : index
    %swap3A_35 = arith.constant 0 : index
    %swap3A_36 = vector.load %arg6[%swap3A, %swap3A_35] : memref<10000x128xf32, #tpu.memory_space<vmem>>, vector<10000x128xf32>
    tpu.vector_store %arg6[%swap3A, %swap3A_35], %mul3A_34 {strides = array<i32>} : memref<10000x128xf32, #tpu.memory_space<vmem>>, vector<10000x128xf32>,
    return
  }
}

module attributes {stable_mosaic.version = 14 : i64} {
  func.func @_tc3_body(%arg0: memref<2x10240x128xf32, #tpu.memory_space<vmem>>, %arg1: memref<10000x128xf32, #tpu.memory_space<vmem>>, %arg2: memref<10000x1xf32, #tpu.memory_space<vmem>>, %arg3: memref<1x128xf32, #tpu.memory_space<vmem>>, %arg4: memref<128x40xf32, #tpu.memory_space<vmem>>, %arg5: memref<1x40xf32, #tpu.memory_space<vmem>>, %arg6: memref<10000x40xf32, #tpu.memory_space<vmem>>) attributes {dimension_semantics = [], scalar_prefetch = 0 : i64, scratch_operands = 0 : i64, tpu.core_type = #tpu.core_type<tc>} {
    %get3A = arith.constant 0 : index
    %get3A_0 = arith.constant 0 : index
    %get3A_1 = arith.constant 0 : index
    %get3A_2 = vector.load %arg0[%get3A, %get3A_0, %get3A_1] : memref<2x10240x128xf32, #tpu.memory_space<vmem>>, vector<1x10240x128xf32>
    %get3A_3 = vector.shape_cast %get3A_2 : vector<1x10240x128xf32> to vector<10240x128xf32>
    %get3A_4 = arith.constant 1 : index
    %get3A_5 = arith.constant 0 : index
    %get3A_6 = arith.constant 0 : index
    %get3A_7 = vector.load %arg0[%get3A_4, %get3A_5, %get3A_6] : memref<2x10240x128xf32, #tpu.memory_space<vmem>>, vector<1x10240x128xf32>
    %get3A_8 = vector.shape_cast %get3A_7 : vector<1x10240x128xf32> to vector<10240x128xf32>
    %add3A = arith.addf %get3A_3, %get3A_8 : vector<10240x128xf32>
    %slice3A = vector.extract_strided_slice %add3A {offsets = [0, 0], sizes = [10000, 128], strides = [1, 1]} : vector<10240x128xf32> to vector<10000x128xf32>
    %get3A_9 = arith.constant 0 : index
    %get3A_10 = arith.constant 0 : index
    %get3A_11 = vector.load %arg1[%get3A_9, %get3A_10] : memref<10000x128xf32, #tpu.memory_space<vmem>>, vector<10000x128xf32>
    %add3A_12 = arith.addf %slice3A, %get3A_11 : vector<10000x128xf32>
    %get3A_13 = arith.constant 0 : index
    %get3A_14 = arith.constant 0 : index
    %get3A_15 = vector.load %arg2[%get3A_13, %get3A_14] : memref<10000x1xf32, #tpu.memory_space<vmem>>, vector<10000x1xf32>
    %mul3A = vector.broadcast %get3A_15 : vector<10000x1xf32> to vector<10000x128xf32>
    %mul3A_16 = arith.mulf %add3A_12, %mul3A : vector<10000x128xf32>
    %get3A_17 = arith.constant 0 : index
    %get3A_18 = arith.constant 0 : index
    %get3A_19 = vector.load %arg3[%get3A_17, %get3A_18] : memref<1x128xf32, #tpu.memory_space<vmem>>, vector<1x128xf32>
    %add3A_20 = vector.broadcast %get3A_19 : vector<1x128xf32> to vector<10000x128xf32>
    %add3A_21 = arith.addf %mul3A_16, %add3A_20 : vector<10000x128xf32>
    %max3A = arith.constant 0.000000e+00 : f32
    %max3A_22 = vector.broadcast %max3A : f32 to vector<10000x128xf32>
    %max3A_23 = arith.maximumf %add3A_21, %max3A_22 : vector<10000x128xf32>
    %get3A_24 = arith.constant 0 : index
    %get3A_25 = arith.constant 0 : index
    %get3A_26 = vector.load %arg4[%get3A_24, %get3A_25] : memref<128x40xf32, #tpu.memory_space<vmem>>, vector<128x40xf32>
    %dot_general3A = arith.constant dense<0.000000e+00> : vector<10000x40xf32>
    %dot_general3A_27 = tpu.matmul %max3A_23, %get3A_26, %dot_general3A {dimension_numbers = #tpu.dot_dimension_numbers<[1], [0], [0], [1], [0, 0, 1, 1], [], []>, transpose_lhs_hint = false} : vector<10000x128xf32>, vector<128x40xf32>, vector<10000x40xf32> -> vector<10000x40xf32>
    %get3A_28 = arith.constant 0 : index
    %get3A_29 = arith.constant 0 : index
    %get3A_30 = vector.load %arg5[%get3A_28, %get3A_29] : memref<1x40xf32, #tpu.memory_space<vmem>>, vector<1x40xf32>
    %add3A_31 = vector.broadcast %get3A_30 : vector<1x40xf32> to vector<10000x40xf32>
    %add3A_32 = arith.addf %dot_general3A_27, %add3A_31 : vector<10000x40xf32>
    %swap3A = arith.constant 0 : index
    %swap3A_33 = arith.constant 0 : index
    %swap3A_34 = vector.load %arg6[%swap3A, %swap3A_33] : memref<10000x40xf32, #tpu.memory_space<vmem>>, vector<10000x40xf32>
    tpu.vector_store %arg6[%swap3A, %swap3A_33], %add3A_32 {strides = array<i32>} : memref<10000x40xf32, #tpu.memory_space<vmem>>, vector<10000x40xf32>,
    return
  }
}

</mosaic_0001>

<sc_bundles>
// kernel: kernel.11.cloned.1.call-start
scs
__scs_entry_jumppad:
0x0: {  	(pc) =	sbr.rel $0x88, $3  }
0x1: {  	(tag) =	ssettag $0x0;
	lr =	simm.s32 $0x1  }
0x2: {  	[smem:$0x3F99] =	sst lr;
	_ =	strace $0xD0000000  }
0x3: {  	_ = 	snop  }
0x4: {  	_ = 	snop  }
0x5: {  	_ = 	snop  }
0x6: {  	_ = 	snop  }
0x7: {  	_ = 	snop  }
__scs_overlays_trampoline_lowered:
0x8: {  	[smem:$0x3FA8] =	sst s0  }
0x9: {  	[smem:$0x3FA9] =	sst s1  }
0xa: {  	[smem:$0x3FAA] =	sst s2  }
0xb: {  	[smem:$0x3FAB] =	sst s3  }
0xc: {  	[smem:$0x3FAC] =	sst s4  }
0xd: {  	[smem:$0x3FAD] =	sst s5  }
0xe: {  	[smem:$0x3FAE] =	sst s6  }
0xf: {  	[smem:$0x3FAF] =	sst s7  }
0x10: {  	[smem:$0x3FB0] =	sst s8  }
0x11: {  	[smem:$0x3FB1] =	sst s9;
	s0 =	simm.s32 @!p0 $0x0  }
0x12: {  	s1 =	sld [smem:$0x3F97];
	s0 =	simm.s32 @p0 $0x1  }
0x13: {  	[smem:$0x3FB2] =	sst s0;
	s0 =	simm.s32 @!p1 $0x0  }
0x14: {  	s2 =	sld [smem:$0x3F96];
	s0 =	simm.s32 @p1 $0x1  }
0x15: {  	[smem:$0x3FB3] =	sst s0;
	s0 =	simm.s32 @!p2 $0x0  }
0x16: {  	s3 =	sld [smem:$0x3FDB];
	s0 =	simm.s32 @p2 $0x1  }
0x17: {  	s4 =	simm.s32 $0x1BF5;
	[smem:$0x3FB5] =	sst s0  }
0x18: {  	s0 =	sld [smem:$0x3F98];
	_ =	swait.ge [sflag:s4], $0x0  }
0x19: {  	s7 =	sld [smem:$0x3F99]  }
0x1a: {  	s8 =	sadd.s32 $0xFFFFE003, lr  }
0x1b: {  	s9 =	sadd.s32 $0xFFFFFEF7, lr;
	s5 =	simm.s32 $0xFFFFFFFF;
	p2 =	slt.u32 s8, $0xFFFFF086  }
0x1c: {  	p1 =	slt.u32 s9, $0xF7A;
	s5 =	simm.s32 @!p2 $0x0  }
0x1d: {  	s5 =	simm.s32 @p1 $0x1;
	p0 =	seq.s32 s7, s2  }
0x1e: {  	s7 =	smul.u32 @!p0 $0xF7A, s2;
	p2 =	seq.s32 @!p0 s5, $0x0  }
0x1f: {  	s9 =	smul.u32 $0xF7A, s1;
	s8 =	simm.s32 @!p0 $0x1BF5;
	p2 =	por !p2, p0  }
0x20: {  	[sflag:s8] =	ssyncset.s32 @!p0 $0xFFFFF086;
	s6 =	sadd.s32 @!p0 s3, s7;
	s7 =	simm.s32 @!p0 $0x108  }
0x21: {  	s3 =	sadd.s32 s3, s9;
	s6 =	sadd.s32 @!p0 $0x88, s6;
	s7 =	simm.s32 @p2 $0x1082  }
0x22: {  	[simem:s7], [sflag:s8] =	dma.local @!p0 [hbm:s6], $0xF7A  }
0x23: {  	s9 =	sor.u32 $0xD0000000, s2;
	s6 =	simm.s32 $0x108;
	_ =	swait.ge @!p0 [sflag:s8], $0x0  }
0x24: {  	s3 =	sadd.s32 $0x88, s3;
	s6 =	simm.s32 @!p1 $0x1082;
	[sflag:s4] =	ssyncset.s32 $0xFFFFF086  }
0x25: {  	[simem:s6], [sflag:s4] =	dma.local [hbm:s3], $0xF7A  }
0x26: {  	[smem:$0x3F99] =	sst s1;
	(tag) =	ssettag s2;
	_ =	strace s9  }
0x27: {  	s1 =	sld [smem:$0x3FA9]  }
0x28: {  	s2 =	sld [smem:$0x3FAA]  }
0x29: {  	s4 =	sld [smem:$0x3FAC]  }
0x2a: {  	p0 =	seq.s32 s5, $0x0;
	s5 =	sld [smem:$0x3FAD]  }
0x2b: {  	s6 =	sld [smem:$0x3FAE]  }
0x2c: {  	s7 =	sld [smem:$0x3FAF]  }
0x2d: {  	s3 =	simm.s32 $0x108;
	s8 =	sld [smem:$0x3FB0]  }
0x2e: {  	s3 =	simm.s32 @!p0 $0x1082;
	s9 =	sld [smem:$0x3FB1]  }
0x2f: {  	lr =	sadd.s32 s0, s3;
	s0 =	sld [smem:$0x3FA8]  }
0x30: {  	s3 =	sld [smem:$0x3FAB]  }
0x31: {  	[smem:$0x3FB4] =	sst s10  }
0x32: {  	s10 =	sld [smem:$0x3FB2];
	_ =	sdelay $0x3  }
0x33: {  	p0 =	seq.s32 s10, $0x1;
	s10 =	sld [smem:$0x3FB4];
	_ =	sdelay $0x3  }
0x34: {  	[smem:$0x3FB4] =	sst s10  }
0x35: {  	s10 =	sld [smem:$0x3FB3];
	_ =	sdelay $0x3  }
0x36: {  	p1 =	seq.s32 s10, $0x1;
	s10 =	sld [smem:$0x3FB4];
	_ =	sdelay $0x3  }
0x37: {  	[smem:$0x3FB4] =	sst s10  }
0x38: {  	s10 =	sld [smem:$0x3FB5]  }
0x39: {  	_ = 	snop;
	(pc) =	sbr.ind lr, $3  }
0x3a: {  	_ = 	snop  }
0x3b: {  	_ = 	snop  }
0x3c: {  	p2 =	seq.s32 s10, $0x1;
	s10 =	sld [smem:$0x3FB4]  }
0x3d: {  	_ =	shalt  }
0x3e: {  	_ =	shalt  }
0x3f: {  	_ =	shalt  }
0x40: {  	_ =	shalt  }
0x41: {  	_ =	shalt  }
0x42: {  	_ =	shalt  }
0x43: {  	_ =	shalt  }
0x44: {  	_ =	shalt  }
0x45: {  	_ =	shalt  }
0x46: {  	_ =	shalt  }
0x47: {  	_ =	shalt  }
0x48: {  	_ =	shalt  }
0x49: {  	_ =	shalt  }
0x4a: {  	_ =	shalt  }
0x4b: {  	_ =	shalt  }
0x4c: {  	_ =	shalt  }
0x4d: {  	_ =	shalt  }
0x4e: {  	_ =	shalt  }
0x4f: {  	_ =	shalt  }
0x50: {  	_ =	shalt  }
0x51: {  	_ =	shalt  }
0x52: {  	_ =	shalt  }
0x53: {  	_ =	shalt  }
0x54: {  	_ =	shalt  }
0x55: {  	_ =	shalt  }
0x56: {  	_ =	shalt  }
0x57: {  	_ =	shalt  }
0x58: {  	_ =	shalt  }
0x59: {  	_ =	shalt  }
0x5a: {  	_ =	shalt  }
0x5b: {  	_ =	shalt  }
0x5c: {  	_ =	shalt  }
0x5d: {  	_ =	shalt  }
0x5e: {  	_ =	shalt  }
0x5f: {  	_ =	shalt  }
0x60: {  	_ =	shalt  }
0x61: {  	_ =	shalt  }
0x62: {  	_ =	shalt  }
0x63: {  	_ =	shalt  }
0x64: {  	_ =	shalt  }
0x65: {  	_ =	shalt  }
0x66: {  	_ =	shalt  }
0x67: {  	_ =	shalt  }
0x68: {  	_ =	shalt  }
0x69: {  	_ =	shalt  }
0x6a: {  	_ =	shalt  }
0x6b: {  	_ =	shalt  }
0x6c: {  	_ =	shalt  }
0x6d: {  	_ =	shalt  }
0x6e: {  	_ =	shalt  }
0x6f: {  	_ =	shalt  }
0x70: {  	_ =	shalt  }
0x71: {  	_ =	shalt  }
0x72: {  	_ =	shalt  }
0x73: {  	_ =	shalt  }
0x74: {  	_ =	shalt  }
0x75: {  	_ =	shalt  }
0x76: {  	_ =	shalt  }
0x77: {  	_ =	shalt  }
0x78: {  	_ =	shalt  }
0x79: {  	_ =	shalt  }
0x7a: {  	_ =	shalt  }
0x7b: {  	_ =	shalt  }
0x7c: {  	_ =	shalt  }
0x7d: {  	_ =	shalt  }
0x7e: {  	_ =	shalt  }
0x7f: {  	_ =	shalt  }
0x80: {  	_ =	shalt  }
0x81: {  	_ =	shalt  }
0x82: {  	_ =	shalt  }
0x83: {  	_ =	shalt  }
0x84: {  	_ =	shalt  }
0x85: {  	_ =	shalt  }
0x86: {  	_ =	shalt  }
0x87: {  	_ =	shalt  }
.Lfunc_end0:
.L_simem_size_0:
called_computation.1_lowered:
.L_overlay_start_0:
0x88: {  	s2 =	sld [smem:$0x3FD9]  }
0x89: {  	s3 =	sld [smem:$0x3FFE];
	_ =	sdelay $0x1  }
0x8a: {  	s1 =	srdreg.scid  }
0x8b: {  	s0 =	sand.u32 $0x1, s1  }
0x8c: {  	s17 =	sshll.u32 s0, $0xA;
	s2 =	sadd.s32 s3, s2  }
0x8d: {  	s2 =	sadd.s32 s2, s17  }
0x8e: {  	[smem:$0x3FC0] =	sst s2  }
0x8f: {  	_ = 	snop  }
0x90: {  	s2 =	sld [smem:$0x3FD0];
	(tm) =	ssettm $0x1  }
0x91: {  	s18 =	sld [smem:$0x3FFB];
	_ =	sdelay $0x3  }
0x92: {  	_ =	strace s18  }
0x93: {  	s3 =	sld [smem:$0x3FFC];
	_ =	sdelay $0x3  }
0x94: {  	_ =	strace s3  }
0x95: {  	s3 =	sld [smem:$0x3FFD];
	_ =	sdelay $0x3  }
0x96: {  	_ =	strace s3  }
0x97: {  	_ =	strace $0x8FFFFFFF  }
0x98: {  	s19 =	sld [smem:$0x3FDB];
	_ =	sdelay $0x1  }
0x99: {  	s4 =	simm.s32 $_scs_section_size  }
0x9a: {  	s5 =	simm.s32 $_size__tile_overlayer_lowered;
	s6 =	simm.s32 $_tile_overlayer_lowered  }
0x9b: {  	s22 =	simm.s32 $0x1BFF;
	s21 =	sshll.u32 s6, $0x1;
	s3 =	sadd.s32 s4, s19  }
0x9c: {  	s7 =	simm.s32 $0x0;
	s20 =	sshll.u32 s5, $0x1;
	s5 =	sadd.s32 s21, s3  }
0x9d: {  	[timem:s7], [sflag:s22] =	dma.local [hbm:s5], s20  }
0x9e: {  	_ =	swait.ge [sflag:s22], s20  }
0x9f: {  	s4 =	ssub.s32 $0x0, s20;
	[sflag:s22] =	ssyncset.done $0x0  }
0xa0: {  	[sflag:s22] =	ssyncadd.s32 s4;
	_ =	sdelay $0x1  }
0xa1: {  	s23 =	simm.s32 $0x1B8B  }
0xa2: {  	_ =	swait.ge [sflag:s23], $0x1  }
0xa3: {  	[sflag:s23] =	ssyncset.done $0x0  }
0xa4: {  	s25 =	simm.s32 $0x1B8E;
	s24 =	sld [smem:$0x3FFE];
	[sflag:s23] =	ssyncadd.s32 $0xFFFFFFFF  }
0xa5: {  	s26 =	simm.s32 $execute0_lowered;
	[smem:$0x3FD2] =	sst s25  }
0xa6: {  	s5 =	sshll.u32 s26, $0x1;
	_ =	strace $0x80000049;
	[dreg:$0x1] =	wrdreg $0xFFFFFFFF  }
0xa7: {  	s28 =	simm.s32 $_size_execute0_lowered;
	s3 =	sadd.s32 s3, s5;
	[dreg:$0x0] =	wrdreg $0x0  }
0xa8: {  	s5 =	sshll.u32 s28, $0x1;
	[dreg:$0x2] =	wrdreg s3  }
0xa9: {  	[dreg:$0x3] =	wrdreg s5  }
0xaa: {  	[dreg:$0x4] =	wrdreg $0xC0  }
0xab: {  	_ =	task [dreg:s7], $0x5FFFF  }
0xac: {  	[dreg:$0x1] =	wrdreg $0xFFFFFFFF  }
0xad: {  	[dreg:$0x0] =	wrdreg $0x60  }
0xae: {  	[dreg:$0x2] =	wrdreg s2  }
0xaf: {  	[dreg:$0x3] =	wrdreg s24  }
0xb0: {  	[dreg:$0x4] =	wrdreg $0xB7800  }
0xb1: {  	[dreg:$0x5] =	wrdreg $0x9  }
0xb2: {  	_ =	task.clear_ibuf [dreg:s7], $0x6FFFF;
	_ =	strace $0x90000049  }
0xb3: {  	s29 =	simm.s32 $0x9;
	_ =	strace $0x8000004B  }
0xb4: {  	_ =	swait.ge [sflag:s29], $0x1  }
0xb5: {  	[sflag:s29] =	ssyncadd.s32 $0xFFFFFFFF  }
0xb6: {  	_ =	strace $0x9000004B  }
0xb7: {  	_ =	sfence  }
0xb8: {  	s30 =	sld [smem:$0x0];
	_ =	sdelay $0x2  }
0xb9: {  	s31 =	sshll.u32 s1, $0xD;
	s1 =	sshrl.u32 s1, $0x2  }
0xba: {  	s3 =	sand.u32 $0x4000, s31;
	s1 =	sadd.s32 s1, s30  }
0xbb: {  	s0 =	sor.u32 s3, s0;
	s1 =	sshll.u32 s1, $0x11  }
0xbc: {  	s0 =	sor.u32 s1, s0  }
0xbd: {  	s0 =	sadd.s32 $0x8F2B, s0  }
0xbe: {  	[sflag:s0] =	ssyncadd.remote.s32 $0x1  }
0xbf: {  	_ =	sfence.sel $0xFFFF  }
0xc0: {  	[dreg:$0x0] =	wrdreg $0xFFFFFFFF;
	(pc) =	sbr.abs _section_cstart, $3  }
0xc1: {  	[dreg:$0x1] =	wrdreg $0xFFFFFFFF  }
0xc2: {  	_ =	task.clear_ibuf [dreg:s7], $0x2FFFF;
	_ =	strace $0x9FFFFFFF  }
0xc3: {  	(tm) =	ssettm $0x7FFFFFFF  }
tec
execute0_lowered:
.L_overlay_start_1:
0x0: {  	(tag) =	ssettag $0x1  }
0x1: {  	s6 =	rddreg [dreg:$0x0]  }
0x2: {  	s7 =	rddreg [dreg:$0x1]  }
0x3: {  	s2 =	rddreg [dreg:$0x2]  }
0x4: {  	s0 =	rddreg [dreg:$0x3]  }
0x5: {  	s4 =	srdreg.scid;
	s1 =	stileid.u32;
	s3 =	simm.s32 $0x0  }
0x6: {  	s20 =	simm.s32 $0x50;
	s21 =	simm.s32 $0x6780;
	s22 =	simm.s32 $0x1  }
0x7: {  	s8 =	sand.u32 $0x1, s4;
	s23 =	sshll.u32 s1, $0x1;
	s11 =	smul.u32 $0x14000, s1  }
0x8: {  	[smem:$0x7FF] =	sst s3;
	s13 =	sshrl.u32 s1, $0x2;
	s25 =	smul.u32 $0x50000, s1  }
0x9: {  	s5 =	sadd.s32 $0x12800, s7;
	s14 =	sshll.u32 s1, $0x6;
	s10 =	smul.u32 $0x140000, s8  }
0xa: {  	s9 =	sor.u32 s8, s23;
	_ =	strace $0x8000004A;
	s24 =	smul.u32 $0x13C00, s13  }
0xb: {  	s26 =	ssub.s32 $0x2, s8;
	s13 =	simm.s32 $0x2780;
	s14 =	sor.u32 $0x1C03, s14  }
0xc: {  	s23 =	simm.s32 $0x2;
	s4 =	sshll.u32 s9, $0xB;
	s9 =	sshll.u32 s9, $0x7  }
0xd: {  	s29 =	sshrl.u32 s26, $0x1;
	s30 =	sshrl.u32 s25, $0x2;
	s12 =	sadd.s32 s4, s7  }
0xe: {  	s4 =	sadd.s32 $0x13000, s7;
	s10 =	sadd.s32 s11, s10;
	s28 =	sand.u32 $0x380, s9  }
0xf: {  	s9 =	ssub.s32 s26, s29;
	s15 =	sadd.s32 s30, s2;
	s11 =	simm.s32 $0x400  }
0x10: {  	s10 =	sshrl.u32 s10, $0x3;
	s8 =	sor.u32 s24, s28;
	s16 =	sadd.s32 $0x4000, s15  }
0x11: {  	s17 =	sadd.s32 $0x8000, s15;
	s18 =	sadd.s32 $0xC000, s15;
	s19 =	sadd.s32 $0x10000, s15  }
.Ltmp0:
0x12: {  	s9 =	smax.u32 s9, $0x1;
	s15 =	sshrl.u32 s15, $0x3;
	(pc) =	sbr.rel .LBB2_1-.Ltmp0, $4  }
0x13: {  	s24 =	simm.s32 $0x0;
	s10 =	sadd.s32 s10, s7;
	s31 =	sshrl.u32 s8, $0x3  }
0x14: {  	s7 =	sadd.s32 $0x2800, s12;
	s12 =	simm.s32 $0x3;
	s16 =	sshrl.u32 s16, $0x3  }
0x15: {  	s17 =	sshrl.u32 s17, $0x3;
	s18 =	sshrl.u32 s18, $0x3;
	s19 =	sshrl.u32 s19, $0x3  }
0x16: {  	s6 =	sadd.s32 s6, s31;
	s8 =	sadd.s32 $0x3A200, s10;
	s10 =	simm.s32 $0x80  }
.LBB2_5:
0x17: {  	_ =	swait.ge [sflag:s23], $0x2800  }
0x18: {  	s24 =	sadd.s32 $0x1, s24;
	[sflag:s23] =	ssyncset.done $0x0  }
0x19: {  	p0 =	sne.s32 s24, s9;
	[sflag:s23] =	ssyncadd.s32 $0xFFFFD800  }
.Ltmp1:
0x1a: {  	[bflag:$0x0] =	sbarrier.arrive $0xFFFF;
	(pc) =	sbr.rel @!p0 .LBB2_6-.Ltmp1, $4  }
0x1b: {  	[hbm:s8], [sflag:s14] =	dma.local [spmem:s15], $0x2800  }
0x1c: {  	_ =	swait.ge [sflag:s12], $0x2800  }
0x1d: {  	[sflag:s12] =	ssyncset.done $0x0  }
0x1e: {  	[sflag:s12] =	ssyncadd.s32 $0xFFFFD800  }
.LBB2_1:
0x1f: {  	[tilespmem:s3], [sflag:$0x3] =	stream.strided.gather [hbm4b:s6+s10], $0x2780, s11, s10, $0x38;
	[tilespmem:$0x1F780] =	vst v63  }
0x20: {  	_ =	swait.ge [sflag:s12], $0x2780  }
0x21: {  	[sflag:s12] =	ssyncset.done $0x0  }
0x22: {  	[sflag:s12] =	ssyncadd.s32 $0xFFFFD880  }
0x23: {  	[tilespmem:s13], [sflag:$0x3] =	stream.linear.gather [hbm4b:s7+s3], $0x3E80, $0x38;
	[tilespmem:$0x1F780] =	vst v63  }
0x24: {  	_ =	swait.ge [sflag:s12], $0x3E80  }
0x25: {  	[sflag:s12] =	ssyncset.done $0x0  }
0x26: {  	[sflag:s12] =	ssyncadd.s32 $0xFFFFC180  }
0x27: {  	[spmem:s15], [sflag:s14] =	dma.local [hbm:s5], $0x800  }
0x28: {  	_ =	swait.ge [sflag:s12], $0x800  }
0x29: {  	[sflag:s12] =	ssyncset.done $0x0  }
0x2a: {  	[sflag:s12] =	ssyncadd.s32 $0xFFFFF800  }
0x2b: {  	[spmem:s16], [sflag:s14] =	dma.local [hbm:s5], $0x800  }
0x2c: {  	_ =	swait.ge [sflag:s12], $0x800  }
0x2d: {  	[sflag:s12] =	ssyncset.done $0x0  }
0x2e: {  	[sflag:s12] =	ssyncadd.s32 $0xFFFFF800  }
0x2f: {  	[spmem:s17], [sflag:s14] =	dma.local [hbm:s5], $0x800  }
0x30: {  	_ =	swait.ge [sflag:s12], $0x800  }
0x31: {  	[sflag:s12] =	ssyncset.done $0x0  }
0x32: {  	[sflag:s12] =	ssyncadd.s32 $0xFFFFF800  }
0x33: {  	[spmem:s18], [sflag:s14] =	dma.local [hbm:s5], $0x800  }
0x34: {  	_ =	swait.ge [sflag:s12], $0x800  }
0x35: {  	[sflag:s12] =	ssyncset.done $0x0  }
0x36: {  	[sflag:s12] =	ssyncadd.s32 $0xFFFFF800  }
0x37: {  	[spmem:s19], [sflag:s14] =	dma.local [hbm:s5], $0x800  }
.Ltmp2:
0x38: {  	_ =	swait.ge [sflag:s12], $0x800;
	(pc) =	sbr.rel .LBB2_2-.Ltmp2, $4  }
0x39: {  	[sflag:s12] =	ssyncset.done $0x0  }
0x3a: {  	[sflag:s12] =	ssyncadd.s32 $0xFFFFF800  }
0x3b: {  	s25 =	simm.s32 $0x0;
	[bflag:$0x0] =	sbarrier.arrive $0xFFFF  }
0x3c: {  	[tilespmem:s21], [sflag:$0x1] =	stream.indirect.gather [hbm4b:s4+s20], $0x80, s3, s20, $0xb8;
	[tilespmem:$0x1F780] =	vst v63  }
.LBB2_4:
0x3d: {  	s28 =	sand.u32 $0x1, s25  }
0x3e: {  	p0 =	seq.s32 s28, $0x1;
	s28 =	simm.s32 $0x8F80  }
0x3f: {  	s28 =	simm.s32 @!p0 $0x6780;
	p0 =	slt.u32 s26, $0x7D  }
.Ltmp3:
0x40: {  	_ =	swait.ge [sflag:s22], $0x2800;
	s31 =	sshll.u32 s25, $0x7;
	(pc) =	sbr.rel @!p0 .LBB2_5-.Ltmp3, $4  }
0x41: {  	[sflag:s22] =	ssyncset.done $0x0;
	s25 =	sand.u32 $0x3FFFFF80, s31  }
0x42: {  	[sflag:s22] =	ssyncadd.s32 $0xFFFFD800;
	s25 =	sadd.s32 $0x2780, s25  }
0x43: {  	[spmem:s2] =	stream.indirect.scatter.add.f32 [tilespmem:s28], [sflag:$0x2], $0x80, s25, s20, $0xb8;
	[tilespmem:$0x1F780] =	vst v63  }
0x44: {  	s25 =	smov.u32 s26  }
.LBB2_2:
0x45: {  	p0 =	seq.s32 s25, $0x0  }
0x46: {  	p1 =	seq.s32 @!p0 s25, $0x7C  }
0x47: {  	p1 =	por p0, !p1  }
.Ltmp4:
0x48: {  	_ = 	snop;
	(pc) =	sbr.rel @!p1 .LBB2_4-.Ltmp4, $4  }
0x49: {  	s26 =	simm.s32 @!p0 $0x2  }
0x4a: {  	_ =	swait.ge @!p0 [sflag:s26], $0x2800  }
0x4b: {  	[sflag:s26] =	ssyncset.done @!p0 $0x0  }
0x4c: {  	[sflag:s26] =	ssyncadd.s32 @!p0 $0xFFFFD800;
	s26 =	simm.s32 @!p0 $0x7D  }
0x4d: {  	s26 =	sadd.s32 @!p0 $0x1, s25  }
.Ltmp5:
0x4e: {  	s26 =	simm.s32 @p0 $0x1;
	(pc) =	sbr.rel .LBB2_4-.Ltmp5, $4  }
0x4f: {  	s28 =	sand.u32 $0x1, s26;
	s29 =	smul.u32 $0x140, s26  }
0x50: {  	p0 =	seq.s32 s28, $0x1;
	s28 =	simm.s32 $0x8F80  }
0x51: {  	s28 =	simm.s32 @!p0 $0x6780;
	s29 =	sshra.s32 s29, $0x2  }
0x52: {  	[tilespmem:s28], [sflag:$0x1] =	stream.indirect.gather [hbm4b:s4+s20], $0x80, s29, s20, $0xb8;
	[tilespmem:$0x1F780] =	vst v63  }
.LBB2_6:
0x53: {  	_ =	sfence.sel $0x180000  }
0x54: {  	[bflag:$0x0] =	sbarrier.arrive $0xFFFF  }
0x55: {  	p0 =	sne.s32 s1, $0x0;
	_ =	strace $0x9000004A  }
0x56: {  	s0 =	sadd.s32 @!p0 $0x100000, s0;
	[bflag:$0x2] =	sbarrier.arrive $0xFFFF  }
0x57: {  	[sflag:s0] =	ssyncadd.tile.s32 @!p0 $0x1;
	_ =	shalt  }
.Lfunc_end2:
_tile_overlayer_lowered:
.L_overlay_start_2:
0x58: {  	(tag) =	ssettag $0x2  }
0x59: {  	s0 =	rddreg [dreg:$0x0];
	s2 =	stileid.u32  }
0x5a: {  	s1 =	rddreg [dreg:$0x1];
	p0 =	sne.s32 s2, $0x0  }
0x5b: {  	s3 =	rddreg [dreg:$0x2];
	[bflag:$0x3] =	sbarrier.arrive $0xFFFF;
	s2 =	simm.s32 @!p0 $0x1C03  }
0x5c: {  	[timem:s3], [sflag:s2] =	dma.local @!p0 [hbm:s0], s1  }
0x5d: {  	s0 =	simm.s32 @!p0 $0x3  }
0x5e: {  	_ =	swait.ge @!p0 [sflag:s0], s1  }
0x5f: {  	s1 =	ssub.s32 @!p0 $0x0, s1;
	[sflag:s0] =	ssyncset.done @!p0 $0x0  }
0x60: {  	[sflag:s0] =	ssyncadd.s32 @!p0 s1  }
0x61: {  	[bflag:$0x3] =	sbarrier.arrive $0xFFFF  }
0x62: {  	_ =	shalt  }

// kernel: kernel.14.cloned.1.call-start
scs
__scs_entry_jumppad:
0x0: {  	(pc) =	sbr.rel $0x88, $3  }
0x1: {  	(tag) =	ssettag $0x0;
	lr =	simm.s32 $0x1  }
0x2: {  	[smem:$0x3F99] =	sst lr;
	_ =	strace $0xD0000000  }
0x3: {  	_ = 	snop  }
0x4: {  	_ = 	snop  }
0x5: {  	_ = 	snop  }
0x6: {  	_ = 	snop  }
0x7: {  	_ = 	snop  }
__scs_overlays_trampoline_lowered:
0x8: {  	[smem:$0x3FA8] =	sst s0  }
0x9: {  	[smem:$0x3FA9] =	sst s1  }
0xa: {  	[smem:$0x3FAA] =	sst s2  }
0xb: {  	[smem:$0x3FAB] =	sst s3  }
0xc: {  	[smem:$0x3FAC] =	sst s4  }
0xd: {  	[smem:$0x3FAD] =	sst s5  }
0xe: {  	[smem:$0x3FAE] =	sst s6  }
0xf: {  	[smem:$0x3FAF] =	sst s7  }
0x10: {  	[smem:$0x3FB0] =	sst s8  }
0x11: {  	[smem:$0x3FB1] =	sst s9;
	s0 =	simm.s32 @!p0 $0x0  }
0x12: {  	s1 =	sld [smem:$0x3F97];
	s0 =	simm.s32 @p0 $0x1  }
0x13: {  	[smem:$0x3FB2] =	sst s0;
	s0 =	simm.s32 @!p1 $0x0  }
0x14: {  	s2 =	sld [smem:$0x3F96];
	s0 =	simm.s32 @p1 $0x1  }
0x15: {  	[smem:$0x3FB3] =	sst s0;
	s0 =	simm.s32 @!p2 $0x0  }
0x16: {  	s3 =	sld [smem:$0x3FDB];
	s0 =	simm.s32 @p2 $0x1  }
0x17: {  	s4 =	simm.s32 $0x1BF5;
	[smem:$0x3FB5] =	sst s0  }
0x18: {  	s0 =	sld [smem:$0x3F98];
	_ =	swait.ge [sflag:s4], $0x0  }
0x19: {  	s7 =	sld [smem:$0x3F99]  }
0x1a: {  	s8 =	sadd.s32 $0xFFFFE003, lr  }
0x1b: {  	s9 =	sadd.s32 $0xFFFFFEF7, lr;
	s5 =	simm.s32 $0xFFFFFFFF;
	p2 =	slt.u32 s8, $0xFFFFF086  }
0x1c: {  	p1 =	slt.u32 s9, $0xF7A;
	s5 =	simm.s32 @!p2 $0x0  }
0x1d: {  	s5 =	simm.s32 @p1 $0x1;
	p0 =	seq.s32 s7, s2  }
0x1e: {  	s7 =	smul.u32 @!p0 $0xF7A, s2;
	p2 =	seq.s32 @!p0 s5, $0x0  }
0x1f: {  	s9 =	smul.u32 $0xF7A, s1;
	s8 =	simm.s32 @!p0 $0x1BF5;
	p2 =	por !p2, p0  }
0x20: {  	[sflag:s8] =	ssyncset.s32 @!p0 $0xFFFFF086;
	s6 =	sadd.s32 @!p0 s3, s7;
	s7 =	simm.s32 @!p0 $0x108  }
0x21: {  	s3 =	sadd.s32 s3, s9;
	s6 =	sadd.s32 @!p0 $0x88, s6;
	s7 =	simm.s32 @p2 $0x1082  }
0x22: {  	[simem:s7], [sflag:s8] =	dma.local @!p0 [hbm:s6], $0xF7A  }
0x23: {  	s9 =	sor.u32 $0xD0000000, s2;
	s6 =	simm.s32 $0x108;
	_ =	swait.ge @!p0 [sflag:s8], $0x0  }
0x24: {  	s3 =	sadd.s32 $0x88, s3;
	s6 =	simm.s32 @!p1 $0x1082;
	[sflag:s4] =	ssyncset.s32 $0xFFFFF086  }
0x25: {  	[simem:s6], [sflag:s4] =	dma.local [hbm:s3], $0xF7A  }
0x26: {  	[smem:$0x3F99] =	sst s1;
	(tag) =	ssettag s2;
	_ =	strace s9  }
0x27: {  	s1 =	sld [smem:$0x3FA9]  }
0x28: {  	s2 =	sld [smem:$0x3FAA]  }
0x29: {  	s4 =	sld [smem:$0x3FAC]  }
0x2a: {  	p0 =	seq.s32 s5, $0x0;
	s5 =	sld [smem:$0x3FAD]  }
0x2b: {  	s6 =	sld [smem:$0x3FAE]  }
0x2c: {  	s7 =	sld [smem:$0x3FAF]  }
0x2d: {  	s3 =	simm.s32 $0x108;
	s8 =	sld [smem:$0x3FB0]  }
0x2e: {  	s3 =	simm.s32 @!p0 $0x1082;
	s9 =	sld [smem:$0x3FB1]  }
0x2f: {  	lr =	sadd.s32 s0, s3;
	s0 =	sld [smem:$0x3FA8]  }
0x30: {  	s3 =	sld [smem:$0x3FAB]  }
0x31: {  	[smem:$0x3FB4] =	sst s10  }
0x32: {  	s10 =	sld [smem:$0x3FB2];
	_ =	sdelay $0x3  }
0x33: {  	p0 =	seq.s32 s10, $0x1;
	s10 =	sld [smem:$0x3FB4];
	_ =	sdelay $0x3  }
0x34: {  	[smem:$0x3FB4] =	sst s10  }
0x35: {  	s10 =	sld [smem:$0x3FB3];
	_ =	sdelay $0x3  }
0x36: {  	p1 =	seq.s32 s10, $0x1;
	s10 =	sld [smem:$0x3FB4];
	_ =	sdelay $0x3  }
0x37: {  	[smem:$0x3FB4] =	sst s10  }
0x38: {  	s10 =	sld [smem:$0x3FB5]  }
0x39: {  	_ = 	snop;
	(pc) =	sbr.ind lr, $3  }
0x3a: {  	_ = 	snop  }
0x3b: {  	_ = 	snop  }
0x3c: {  	p2 =	seq.s32 s10, $0x1;
	s10 =	sld [smem:$0x3FB4]  }
0x3d: {  	_ =	shalt  }
0x3e: {  	_ =	shalt  }
0x3f: {  	_ =	shalt  }
0x40: {  	_ =	shalt  }
0x41: {  	_ =	shalt  }
0x42: {  	_ =	shalt  }
0x43: {  	_ =	shalt  }
0x44: {  	_ =	shalt  }
0x45: {  	_ =	shalt  }
0x46: {  	_ =	shalt  }
0x47: {  	_ =	shalt  }
0x48: {  	_ =	shalt  }
0x49: {  	_ =	shalt  }
0x4a: {  	_ =	shalt  }
0x4b: {  	_ =	shalt  }
0x4c: {  	_ =	shalt  }
0x4d: {  	_ =	shalt  }
0x4e: {  	_ =	shalt  }
0x4f: {  	_ =	shalt  }
0x50: {  	_ =	shalt  }
0x51: {  	_ =	shalt  }
0x52: {  	_ =	shalt  }
0x53: {  	_ =	shalt  }
0x54: {  	_ =	shalt  }
0x55: {  	_ =	shalt  }
0x56: {  	_ =	shalt  }
0x57: {  	_ =	shalt  }
0x58: {  	_ =	shalt  }
0x59: {  	_ =	shalt  }
0x5a: {  	_ =	shalt  }
0x5b: {  	_ =	shalt  }
0x5c: {  	_ =	shalt  }
0x5d: {  	_ =	shalt  }
0x5e: {  	_ =	shalt  }
0x5f: {  	_ =	shalt  }
0x60: {  	_ =	shalt  }
0x61: {  	_ =	shalt  }
0x62: {  	_ =	shalt  }
0x63: {  	_ =	shalt  }
0x64: {  	_ =	shalt  }
0x65: {  	_ =	shalt  }
0x66: {  	_ =	shalt  }
0x67: {  	_ =	shalt  }
0x68: {  	_ =	shalt  }
0x69: {  	_ =	shalt  }
0x6a: {  	_ =	shalt  }
0x6b: {  	_ =	shalt  }
0x6c: {  	_ =	shalt  }
0x6d: {  	_ =	shalt  }
0x6e: {  	_ =	shalt  }
0x6f: {  	_ =	shalt  }
0x70: {  	_ =	shalt  }
0x71: {  	_ =	shalt  }
0x72: {  	_ =	shalt  }
0x73: {  	_ =	shalt  }
0x74: {  	_ =	shalt  }
0x75: {  	_ =	shalt  }
0x76: {  	_ =	shalt  }
0x77: {  	_ =	shalt  }
0x78: {  	_ =	shalt  }
0x79: {  	_ =	shalt  }
0x7a: {  	_ =	shalt  }
0x7b: {  	_ =	shalt  }
0x7c: {  	_ =	shalt  }
0x7d: {  	_ =	shalt  }
0x7e: {  	_ =	shalt  }
0x7f: {  	_ =	shalt  }
0x80: {  	_ =	shalt  }
0x81: {  	_ =	shalt  }
0x82: {  	_ =	shalt  }
0x83: {  	_ =	shalt  }
0x84: {  	_ =	shalt  }
0x85: {  	_ =	shalt  }
0x86: {  	_ =	shalt  }
0x87: {  	_ =	shalt  }
.Lfunc_end0:
.L_simem_size_0:
called_computation.2_lowered:
.L_overlay_start_0:
0x88: {  	s2 =	sld [smem:$0x3FD9]  }
0x89: {  	s3 =	sld [smem:$0x3FFE];
	_ =	sdelay $0x1  }
0x8a: {  	s1 =	srdreg.scid  }
0x8b: {  	s0 =	sand.u32 $0x1, s1  }
0x8c: {  	s17 =	sshll.u32 s0, $0xA;
	s2 =	sadd.s32 s3, s2  }
0x8d: {  	s2 =	sadd.s32 s2, s17  }
0x8e: {  	[smem:$0x3FC0] =	sst s2  }
0x8f: {  	_ = 	snop  }
0x90: {  	s2 =	sld [smem:$0x3FD0];
	(tm) =	ssettm $0x1  }
0x91: {  	s18 =	sld [smem:$0x3FFB];
	_ =	sdelay $0x3  }
0x92: {  	_ =	strace s18  }
0x93: {  	s3 =	sld [smem:$0x3FFC];
	_ =	sdelay $0x3  }
0x94: {  	_ =	strace s3  }
0x95: {  	s3 =	sld [smem:$0x3FFD];
	_ =	sdelay $0x3  }
0x96: {  	_ =	strace s3  }
0x97: {  	_ =	strace $0x8FFFFFFF  }
0x98: {  	s19 =	sld [smem:$0x3FDB];
	_ =	sdelay $0x1  }
0x99: {  	s4 =	simm.s32 $_scs_section_size  }
0x9a: {  	s5 =	simm.s32 $_size__tile_overlayer_lowered;
	s6 =	simm.s32 $_tile_overlayer_lowered  }
0x9b: {  	s22 =	simm.s32 $0x1BFF;
	s21 =	sshll.u32 s6, $0x1;
	s3 =	sadd.s32 s4, s19  }
0x9c: {  	s7 =	simm.s32 $0x0;
	s20 =	sshll.u32 s5, $0x1;
	s5 =	sadd.s32 s21, s3  }
0x9d: {  	[timem:s7], [sflag:s22] =	dma.local [hbm:s5], s20  }
0x9e: {  	_ =	swait.ge [sflag:s22], s20  }
0x9f: {  	s4 =	ssub.s32 $0x0, s20;
	[sflag:s22] =	ssyncset.done $0x0  }
0xa0: {  	[sflag:s22] =	ssyncadd.s32 s4;
	_ =	sdelay $0x1  }
0xa1: {  	s23 =	simm.s32 $0x1B8B  }
0xa2: {  	_ =	swait.ge [sflag:s23], $0x1  }
0xa3: {  	[sflag:s23] =	ssyncset.done $0x0  }
0xa4: {  	s25 =	simm.s32 $0x1B8E;
	s24 =	sld [smem:$0x3FFE];
	[sflag:s23] =	ssyncadd.s32 $0xFFFFFFFF  }
0xa5: {  	s26 =	simm.s32 $execute0_lowered;
	[smem:$0x3FD2] =	sst s25  }
0xa6: {  	s5 =	sshll.u32 s26, $0x1;
	_ =	strace $0x8000004C;
	[dreg:$0x1] =	wrdreg $0xFFFFFFFF  }
0xa7: {  	s28 =	simm.s32 $_size_execute0_lowered;
	s3 =	sadd.s32 s3, s5;
	[dreg:$0x0] =	wrdreg $0x0  }
0xa8: {  	s5 =	sshll.u32 s28, $0x1;
	[dreg:$0x2] =	wrdreg s3  }
0xa9: {  	[dreg:$0x3] =	wrdreg s5  }
0xaa: {  	[dreg:$0x4] =	wrdreg $0xC0  }
0xab: {  	_ =	task [dreg:s7], $0x5FFFF  }
0xac: {  	[dreg:$0x1] =	wrdreg $0xFFFFFFFF  }
0xad: {  	[dreg:$0x0] =	wrdreg $0x60  }
0xae: {  	[dreg:$0x2] =	wrdreg s2  }
0xaf: {  	[dreg:$0x3] =	wrdreg s24  }
0xb0: {  	[dreg:$0x4] =	wrdreg $0xB7800  }
0xb1: {  	[dreg:$0x5] =	wrdreg $0x9  }
0xb2: {  	_ =	task.clear_ibuf [dreg:s7], $0x6FFFF;
	_ =	strace $0x9000004C  }
0xb3: {  	s29 =	simm.s32 $0x9;
	_ =	strace $0x8000004E  }
0xb4: {  	_ =	swait.ge [sflag:s29], $0x1  }
0xb5: {  	[sflag:s29] =	ssyncadd.s32 $0xFFFFFFFF  }
0xb6: {  	_ =	strace $0x9000004E  }
0xb7: {  	_ =	sfence  }
0xb8: {  	s30 =	sld [smem:$0x0];
	_ =	sdelay $0x2  }
0xb9: {  	s31 =	sshll.u32 s1, $0xD;
	s1 =	sshrl.u32 s1, $0x2  }
0xba: {  	s3 =	sand.u32 $0x4000, s31;
	s1 =	sadd.s32 s1, s30  }
0xbb: {  	s0 =	sor.u32 s3, s0;
	s1 =	sshll.u32 s1, $0x11  }
0xbc: {  	s0 =	sor.u32 s1, s0  }
0xbd: {  	s0 =	sadd.s32 $0x8F2B, s0  }
0xbe: {  	[sflag:s0] =	ssyncadd.remote.s32 $0x1  }
0xbf: {  	_ =	sfence.sel $0xFFFF  }
0xc0: {  	[dreg:$0x0] =	wrdreg $0xFFFFFFFF;
	(pc) =	sbr.abs _section_cstart, $3  }
0xc1: {  	[dreg:$0x1] =	wrdreg $0xFFFFFFFF  }
0xc2: {  	_ =	task.clear_ibuf [dreg:s7], $0x2FFFF;
	_ =	strace $0x9FFFFFFF  }
0xc3: {  	(tm) =	ssettm $0x7FFFFFFF  }
tec
execute0_lowered:
.L_overlay_start_1:
0x0: {  	(tag) =	ssettag $0x1  }
0x1: {  	s6 =	rddreg [dreg:$0x0]  }
0x2: {  	s7 =	rddreg [dreg:$0x1]  }
0x3: {  	s2 =	rddreg [dreg:$0x2]  }
0x4: {  	s0 =	rddreg [dreg:$0x3]  }
0x5: {  	s4 =	srdreg.scid;
	s1 =	stileid.u32;
	s3 =	simm.s32 $0x0  }
0x6: {  	s20 =	simm.s32 $0x50;
	s21 =	simm.s32 $0x6780;
	s22 =	simm.s32 $0x1  }
0x7: {  	s8 =	sand.u32 $0x1, s4;
	s23 =	sshll.u32 s1, $0x1;
	s11 =	smul.u32 $0x14000, s1  }
0x8: {  	[smem:$0x7FF] =	sst s3;
	s13 =	sshrl.u32 s1, $0x2;
	s25 =	smul.u32 $0x50000, s1  }
0x9: {  	s5 =	sadd.s32 $0x12800, s7;
	s14 =	sshll.u32 s1, $0x6;
	s10 =	smul.u32 $0x140000, s8  }
0xa: {  	s9 =	sor.u32 s8, s23;
	_ =	strace $0x8000004D;
	s24 =	smul.u32 $0x13C00, s13  }
0xb: {  	s26 =	ssub.s32 $0x2, s8;
	s13 =	simm.s32 $0x2780;
	s14 =	sor.u32 $0x1C03, s14  }
0xc: {  	s23 =	simm.s32 $0x2;
	s4 =	sshll.u32 s9, $0xB;
	s9 =	sshll.u32 s9, $0x7  }
0xd: {  	s29 =	sshrl.u32 s26, $0x1;
	s30 =	sshrl.u32 s25, $0x2;
	s12 =	sadd.s32 s4, s7  }
0xe: {  	s4 =	sadd.s32 $0x13000, s7;
	s10 =	sadd.s32 s11, s10;
	s28 =	sand.u32 $0x380, s9  }
0xf: {  	s9 =	ssub.s32 s26, s29;
	s15 =	sadd.s32 s30, s2;
	s11 =	simm.s32 $0x400  }
0x10: {  	s10 =	sshrl.u32 s10, $0x3;
	s8 =	sor.u32 s24, s28;
	s16 =	sadd.s32 $0x4000, s15  }
0x11: {  	s17 =	sadd.s32 $0x8000, s15;
	s18 =	sadd.s32 $0xC000, s15;
	s19 =	sadd.s32 $0x10000, s15  }
.Ltmp0:
0x12: {  	s9 =	smax.u32 s9, $0x1;
	s15 =	sshrl.u32 s15, $0x3;
	(pc) =	sbr.rel .LBB2_1-.Ltmp0, $4  }
0x13: {  	s24 =	simm.s32 $0x0;
	s10 =	sadd.s32 s10, s7;
	s31 =	sshrl.u32 s8, $0x3  }
0x14: {  	s7 =	sadd.s32 $0x2800, s12;
	s12 =	simm.s32 $0x3;
	s16 =	sshrl.u32 s16, $0x3  }
0x15: {  	s17 =	sshrl.u32 s17, $0x3;
	s18 =	sshrl.u32 s18, $0x3;
	s19 =	sshrl.u32 s19, $0x3  }
0x16: {  	s6 =	sadd.s32 s6, s31;
	s8 =	sadd.s32 $0x3A200, s10;
	s10 =	simm.s32 $0x80  }
.LBB2_5:
0x17: {  	_ =	swait.ge [sflag:s23], $0x2800  }
0x18: {  	s24 =	sadd.s32 $0x1, s24;
	[sflag:s23] =	ssyncset.done $0x0  }
0x19: {  	p0 =	sne.s32 s24, s9;
	[sflag:s23] =	ssyncadd.s32 $0xFFFFD800  }
.Ltmp1:
0x1a: {  	[bflag:$0x0] =	sbarrier.arrive $0xFFFF;
	(pc) =	sbr.rel @!p0 .LBB2_6-.Ltmp1, $4  }
0x1b: {  	[hbm:s8], [sflag:s14] =	dma.local [spmem:s15], $0x2800  }
0x1c: {  	_ =	swait.ge [sflag:s12], $0x2800  }
0x1d: {  	[sflag:s12] =	ssyncset.done $0x0  }
0x1e: {  	[sflag:s12] =	ssyncadd.s32 $0xFFFFD800  }
.LBB2_1:
0x1f: {  	[tilespmem:s3], [sflag:$0x3] =	stream.strided.gather [hbm4b:s6+s10], $0x2780, s11, s10, $0x38;
	[tilespmem:$0x1F780] =	vst v63  }
0x20: {  	_ =	swait.ge [sflag:s12], $0x2780  }
0x21: {  	[sflag:s12] =	ssyncset.done $0x0  }
0x22: {  	[sflag:s12] =	ssyncadd.s32 $0xFFFFD880  }
0x23: {  	[tilespmem:s13], [sflag:$0x3] =	stream.linear.gather [hbm4b:s7+s3], $0x3E80, $0x38;
	[tilespmem:$0x1F780] =	vst v63  }
0x24: {  	_ =	swait.ge [sflag:s12], $0x3E80  }
0x25: {  	[sflag:s12] =	ssyncset.done $0x0  }
0x26: {  	[sflag:s12] =	ssyncadd.s32 $0xFFFFC180  }
0x27: {  	[spmem:s15], [sflag:s14] =	dma.local [hbm:s5], $0x800  }
0x28: {  	_ =	swait.ge [sflag:s12], $0x800  }
0x29: {  	[sflag:s12] =	ssyncset.done $0x0  }
0x2a: {  	[sflag:s12] =	ssyncadd.s32 $0xFFFFF800  }
0x2b: {  	[spmem:s16], [sflag:s14] =	dma.local [hbm:s5], $0x800  }
0x2c: {  	_ =	swait.ge [sflag:s12], $0x800  }
0x2d: {  	[sflag:s12] =	ssyncset.done $0x0  }
0x2e: {  	[sflag:s12] =	ssyncadd.s32 $0xFFFFF800  }
0x2f: {  	[spmem:s17], [sflag:s14] =	dma.local [hbm:s5], $0x800  }
0x30: {  	_ =	swait.ge [sflag:s12], $0x800  }
0x31: {  	[sflag:s12] =	ssyncset.done $0x0  }
0x32: {  	[sflag:s12] =	ssyncadd.s32 $0xFFFFF800  }
0x33: {  	[spmem:s18], [sflag:s14] =	dma.local [hbm:s5], $0x800  }
0x34: {  	_ =	swait.ge [sflag:s12], $0x800  }
0x35: {  	[sflag:s12] =	ssyncset.done $0x0  }
0x36: {  	[sflag:s12] =	ssyncadd.s32 $0xFFFFF800  }
0x37: {  	[spmem:s19], [sflag:s14] =	dma.local [hbm:s5], $0x800  }
.Ltmp2:
0x38: {  	_ =	swait.ge [sflag:s12], $0x800;
	(pc) =	sbr.rel .LBB2_2-.Ltmp2, $4  }
0x39: {  	[sflag:s12] =	ssyncset.done $0x0  }
0x3a: {  	[sflag:s12] =	ssyncadd.s32 $0xFFFFF800  }
0x3b: {  	s25 =	simm.s32 $0x0;
	[bflag:$0x0] =	sbarrier.arrive $0xFFFF  }
0x3c: {  	[tilespmem:s21], [sflag:$0x1] =	stream.indirect.gather [hbm4b:s4+s20], $0x80, s3, s20, $0xb8;
	[tilespmem:$0x1F780] =	vst v63  }
.LBB2_4:
0x3d: {  	s28 =	sand.u32 $0x1, s25  }
0x3e: {  	p0 =	seq.s32 s28, $0x1;
	s28 =	simm.s32 $0x8F80  }
0x3f: {  	s28 =	simm.s32 @!p0 $0x6780;
	p0 =	slt.u32 s26, $0x7D  }
.Ltmp3:
0x40: {  	_ =	swait.ge [sflag:s22], $0x2800;
	s31 =	sshll.u32 s25, $0x7;
	(pc) =	sbr.rel @!p0 .LBB2_5-.Ltmp3, $4  }
0x41: {  	[sflag:s22] =	ssyncset.done $0x0;
	s25 =	sand.u32 $0x3FFFFF80, s31  }
0x42: {  	[sflag:s22] =	ssyncadd.s32 $0xFFFFD800;
	s25 =	sadd.s32 $0x2780, s25  }
0x43: {  	[spmem:s2] =	stream.indirect.scatter.add.f32 [tilespmem:s28], [sflag:$0x2], $0x80, s25, s20, $0xb8;
	[tilespmem:$0x1F780] =	vst v63  }
0x44: {  	s25 =	smov.u32 s26  }
.LBB2_2:
0x45: {  	p0 =	seq.s32 s25, $0x0  }
0x46: {  	p1 =	seq.s32 @!p0 s25, $0x7C  }
0x47: {  	p1 =	por p0, !p1  }
.Ltmp4:
0x48: {  	_ = 	snop;
	(pc) =	sbr.rel @!p1 .LBB2_4-.Ltmp4, $4  }
0x49: {  	s26 =	simm.s32 @!p0 $0x2  }
0x4a: {  	_ =	swait.ge @!p0 [sflag:s26], $0x2800  }
0x4b: {  	[sflag:s26] =	ssyncset.done @!p0 $0x0  }
0x4c: {  	[sflag:s26] =	ssyncadd.s32 @!p0 $0xFFFFD800;
	s26 =	simm.s32 @!p0 $0x7D  }
0x4d: {  	s26 =	sadd.s32 @!p0 $0x1, s25  }
.Ltmp5:
0x4e: {  	s26 =	simm.s32 @p0 $0x1;
	(pc) =	sbr.rel .LBB2_4-.Ltmp5, $4  }
0x4f: {  	s28 =	sand.u32 $0x1, s26;
	s29 =	smul.u32 $0x140, s26  }
0x50: {  	p0 =	seq.s32 s28, $0x1;
	s28 =	simm.s32 $0x8F80  }
0x51: {  	s28 =	simm.s32 @!p0 $0x6780;
	s29 =	sshra.s32 s29, $0x2  }
0x52: {  	[tilespmem:s28], [sflag:$0x1] =	stream.indirect.gather [hbm4b:s4+s20], $0x80, s29, s20, $0xb8;
	[tilespmem:$0x1F780] =	vst v63  }
.LBB2_6:
0x53: {  	_ =	sfence.sel $0x180000  }
0x54: {  	[bflag:$0x0] =	sbarrier.arrive $0xFFFF  }
0x55: {  	p0 =	sne.s32 s1, $0x0;
	_ =	strace $0x9000004D  }
0x56: {  	s0 =	sadd.s32 @!p0 $0x100000, s0;
	[bflag:$0x2] =	sbarrier.arrive $0xFFFF  }
0x57: {  	[sflag:s0] =	ssyncadd.tile.s32 @!p0 $0x1;
	_ =	shalt  }
.Lfunc_end2:
_tile_overlayer_lowered:
.L_overlay_start_2:
0x58: {  	(tag) =	ssettag $0x2  }
0x59: {  	s0 =	rddreg [dreg:$0x0];
	s2 =	stileid.u32  }
0x5a: {  	s1 =	rddreg [dreg:$0x1];
	p0 =	sne.s32 s2, $0x0  }
0x5b: {  	s3 =	rddreg [dreg:$0x2];
	[bflag:$0x3] =	sbarrier.arrive $0xFFFF;
	s2 =	simm.s32 @!p0 $0x1C03  }
0x5c: {  	[timem:s3], [sflag:s2] =	dma.local @!p0 [hbm:s0], s1  }
0x5d: {  	s0 =	simm.s32 @!p0 $0x3  }
0x5e: {  	_ =	swait.ge @!p0 [sflag:s0], s1  }
0x5f: {  	s1 =	ssub.s32 @!p0 $0x0, s1;
	[sflag:s0] =	ssyncset.done @!p0 $0x0  }
0x60: {  	[sflag:s0] =	ssyncadd.s32 @!p0 s1  }
0x61: {  	[bflag:$0x3] =	sbarrier.arrive $0xFFFF  }
0x62: {  	_ =	shalt  }

// kernel: kernel.8.cloned.1.call-start
scs
__scs_entry_jumppad:
0x0: {  	(pc) =	sbr.rel $0x88, $3  }
0x1: {  	(tag) =	ssettag $0x0;
	lr =	simm.s32 $0x1  }
0x2: {  	[smem:$0x3F99] =	sst lr;
	_ =	strace $0xD0000000  }
0x3: {  	_ = 	snop  }
0x4: {  	_ = 	snop  }
0x5: {  	_ = 	snop  }
0x6: {  	_ = 	snop  }
0x7: {  	_ = 	snop  }
__scs_overlays_trampoline_lowered:
0x8: {  	[smem:$0x3FA8] =	sst s0  }
0x9: {  	[smem:$0x3FA9] =	sst s1  }
0xa: {  	[smem:$0x3FAA] =	sst s2  }
0xb: {  	[smem:$0x3FAB] =	sst s3  }
0xc: {  	[smem:$0x3FAC] =	sst s4  }
0xd: {  	[smem:$0x3FAD] =	sst s5  }
0xe: {  	[smem:$0x3FAE] =	sst s6  }
0xf: {  	[smem:$0x3FAF] =	sst s7  }
0x10: {  	[smem:$0x3FB0] =	sst s8  }
0x11: {  	[smem:$0x3FB1] =	sst s9;
	s0 =	simm.s32 @!p0 $0x0  }
0x12: {  	s1 =	sld [smem:$0x3F97];
	s0 =	simm.s32 @p0 $0x1  }
0x13: {  	[smem:$0x3FB2] =	sst s0;
	s0 =	simm.s32 @!p1 $0x0  }
0x14: {  	s2 =	sld [smem:$0x3F96];
	s0 =	simm.s32 @p1 $0x1  }
0x15: {  	[smem:$0x3FB3] =	sst s0;
	s0 =	simm.s32 @!p2 $0x0  }
0x16: {  	s3 =	sld [smem:$0x3FDB];
	s0 =	simm.s32 @p2 $0x1  }
0x17: {  	s4 =	simm.s32 $0x1BF5;
	[smem:$0x3FB5] =	sst s0  }
0x18: {  	s0 =	sld [smem:$0x3F98];
	_ =	swait.ge [sflag:s4], $0x0  }
0x19: {  	s7 =	sld [smem:$0x3F99]  }
0x1a: {  	s8 =	sadd.s32 $0xFFFFE003, lr  }
0x1b: {  	s9 =	sadd.s32 $0xFFFFFEF7, lr;
	s5 =	simm.s32 $0xFFFFFFFF;
	p2 =	slt.u32 s8, $0xFFFFF086  }
0x1c: {  	p1 =	slt.u32 s9, $0xF7A;
	s5 =	simm.s32 @!p2 $0x0  }
0x1d: {  	s5 =	simm.s32 @p1 $0x1;
	p0 =	seq.s32 s7, s2  }
0x1e: {  	s7 =	smul.u32 @!p0 $0xF7A, s2;
	p2 =	seq.s32 @!p0 s5, $0x0  }
0x1f: {  	s9 =	smul.u32 $0xF7A, s1;
	s8 =	simm.s32 @!p0 $0x1BF5;
	p2 =	por !p2, p0  }
0x20: {  	[sflag:s8] =	ssyncset.s32 @!p0 $0xFFFFF086;
	s6 =	sadd.s32 @!p0 s3, s7;
	s7 =	simm.s32 @!p0 $0x108  }
0x21: {  	s3 =	sadd.s32 s3, s9;
	s6 =	sadd.s32 @!p0 $0x88, s6;
	s7 =	simm.s32 @p2 $0x1082  }
0x22: {  	[simem:s7], [sflag:s8] =	dma.local @!p0 [hbm:s6], $0xF7A  }
0x23: {  	s9 =	sor.u32 $0xD0000000, s2;
	s6 =	simm.s32 $0x108;
	_ =	swait.ge @!p0 [sflag:s8], $0x0  }
0x24: {  	s3 =	sadd.s32 $0x88, s3;
	s6 =	simm.s32 @!p1 $0x1082;
	[sflag:s4] =	ssyncset.s32 $0xFFFFF086  }
0x25: {  	[simem:s6], [sflag:s4] =	dma.local [hbm:s3], $0xF7A  }
0x26: {  	[smem:$0x3F99] =	sst s1;
	(tag) =	ssettag s2;
	_ =	strace s9  }
0x27: {  	s1 =	sld [smem:$0x3FA9]  }
0x28: {  	s2 =	sld [smem:$0x3FAA]  }
0x29: {  	s4 =	sld [smem:$0x3FAC]  }
0x2a: {  	p0 =	seq.s32 s5, $0x0;
	s5 =	sld [smem:$0x3FAD]  }
0x2b: {  	s6 =	sld [smem:$0x3FAE]  }
0x2c: {  	s7 =	sld [smem:$0x3FAF]  }
0x2d: {  	s3 =	simm.s32 $0x108;
	s8 =	sld [smem:$0x3FB0]  }
0x2e: {  	s3 =	simm.s32 @!p0 $0x1082;
	s9 =	sld [smem:$0x3FB1]  }
0x2f: {  	lr =	sadd.s32 s0, s3;
	s0 =	sld [smem:$0x3FA8]  }
0x30: {  	s3 =	sld [smem:$0x3FAB]  }
0x31: {  	[smem:$0x3FB4] =	sst s10  }
0x32: {  	s10 =	sld [smem:$0x3FB2];
	_ =	sdelay $0x3  }
0x33: {  	p0 =	seq.s32 s10, $0x1;
	s10 =	sld [smem:$0x3FB4];
	_ =	sdelay $0x3  }
0x34: {  	[smem:$0x3FB4] =	sst s10  }
0x35: {  	s10 =	sld [smem:$0x3FB3];
	_ =	sdelay $0x3  }
0x36: {  	p1 =	seq.s32 s10, $0x1;
	s10 =	sld [smem:$0x3FB4];
	_ =	sdelay $0x3  }
0x37: {  	[smem:$0x3FB4] =	sst s10  }
0x38: {  	s10 =	sld [smem:$0x3FB5]  }
0x39: {  	_ = 	snop;
	(pc) =	sbr.ind lr, $3  }
0x3a: {  	_ = 	snop  }
0x3b: {  	_ = 	snop  }
0x3c: {  	p2 =	seq.s32 s10, $0x1;
	s10 =	sld [smem:$0x3FB4]  }
0x3d: {  	_ =	shalt  }
0x3e: {  	_ =	shalt  }
0x3f: {  	_ =	shalt  }
0x40: {  	_ =	shalt  }
0x41: {  	_ =	shalt  }
0x42: {  	_ =	shalt  }
0x43: {  	_ =	shalt  }
0x44: {  	_ =	shalt  }
0x45: {  	_ =	shalt  }
0x46: {  	_ =	shalt  }
0x47: {  	_ =	shalt  }
0x48: {  	_ =	shalt  }
0x49: {  	_ =	shalt  }
0x4a: {  	_ =	shalt  }
0x4b: {  	_ =	shalt  }
0x4c: {  	_ =	shalt  }
0x4d: {  	_ =	shalt  }
0x4e: {  	_ =	shalt  }
0x4f: {  	_ =	shalt  }
0x50: {  	_ =	shalt  }
0x51: {  	_ =	shalt  }
0x52: {  	_ =	shalt  }
0x53: {  	_ =	shalt  }
0x54: {  	_ =	shalt  }
0x55: {  	_ =	shalt  }
0x56: {  	_ =	shalt  }
0x57: {  	_ =	shalt  }
0x58: {  	_ =	shalt  }
0x59: {  	_ =	shalt  }
0x5a: {  	_ =	shalt  }
0x5b: {  	_ =	shalt  }
0x5c: {  	_ =	shalt  }
0x5d: {  	_ =	shalt  }
0x5e: {  	_ =	shalt  }
0x5f: {  	_ =	shalt  }
0x60: {  	_ =	shalt  }
0x61: {  	_ =	shalt  }
0x62: {  	_ =	shalt  }
0x63: {  	_ =	shalt  }
0x64: {  	_ =	shalt  }
0x65: {  	_ =	shalt  }
0x66: {  	_ =	shalt  }
0x67: {  	_ =	shalt  }
0x68: {  	_ =	shalt  }
0x69: {  	_ =	shalt  }
0x6a: {  	_ =	shalt  }
0x6b: {  	_ =	shalt  }
0x6c: {  	_ =	shalt  }
0x6d: {  	_ =	shalt  }
0x6e: {  	_ =	shalt  }
0x6f: {  	_ =	shalt  }
0x70: {  	_ =	shalt  }
0x71: {  	_ =	shalt  }
0x72: {  	_ =	shalt  }
0x73: {  	_ =	shalt  }
0x74: {  	_ =	shalt  }
0x75: {  	_ =	shalt  }
0x76: {  	_ =	shalt  }
0x77: {  	_ =	shalt  }
0x78: {  	_ =	shalt  }
0x79: {  	_ =	shalt  }
0x7a: {  	_ =	shalt  }
0x7b: {  	_ =	shalt  }
0x7c: {  	_ =	shalt  }
0x7d: {  	_ =	shalt  }
0x7e: {  	_ =	shalt  }
0x7f: {  	_ =	shalt  }
0x80: {  	_ =	shalt  }
0x81: {  	_ =	shalt  }
0x82: {  	_ =	shalt  }
0x83: {  	_ =	shalt  }
0x84: {  	_ =	shalt  }
0x85: {  	_ =	shalt  }
0x86: {  	_ =	shalt  }
0x87: {  	_ =	shalt  }
.Lfunc_end0:
.L_simem_size_0:
called_computation_lowered:
.L_overlay_start_0:
0x88: {  	s2 =	sld [smem:$0x3FD9]  }
0x89: {  	s3 =	sld [smem:$0x3FFE];
	_ =	sdelay $0x1  }
0x8a: {  	s1 =	srdreg.scid  }
0x8b: {  	s0 =	sand.u32 $0x1, s1  }
0x8c: {  	s16 =	sshll.u32 s0, $0xA;
	s2 =	sadd.s32 s3, s2  }
0x8d: {  	s2 =	sadd.s32 s2, s16  }
0x8e: {  	[smem:$0x3FC0] =	sst s2  }
0x8f: {  	_ = 	snop  }
0x90: {  	(tm) =	ssettm $0x1  }
0x91: {  	s17 =	sld [smem:$0x3FFB];
	_ =	sdelay $0x3  }
0x92: {  	_ =	strace s17  }
0x93: {  	s2 =	sld [smem:$0x3FFC];
	_ =	sdelay $0x3  }
0x94: {  	_ =	strace s2  }
0x95: {  	s2 =	sld [smem:$0x3FFD];
	_ =	sdelay $0x3  }
0x96: {  	_ =	strace s2  }
0x97: {  	_ =	strace $0x8FFFFFFF  }
0x98: {  	s18 =	sld [smem:$0x3FDB];
	_ =	sdelay $0x1  }
0x99: {  	s19 =	simm.s32 $_scs_section_size  }
0x9a: {  	s4 =	simm.s32 $_size__tile_overlayer_lowered;
	s5 =	simm.s32 $_tile_overlayer_lowered  }
0x9b: {  	s22 =	simm.s32 $0x1BFF;
	s21 =	sshll.u32 s5, $0x1;
	s2 =	sadd.s32 s19, s18  }
0x9c: {  	s6 =	simm.s32 $0x0;
	s20 =	sshll.u32 s4, $0x1;
	s4 =	sadd.s32 s21, s2  }
0x9d: {  	[timem:s6], [sflag:s22] =	dma.local [hbm:s4], s20  }
0x9e: {  	_ =	swait.ge [sflag:s22], s20  }
0x9f: {  	s3 =	ssub.s32 $0x0, s20;
	[sflag:s22] =	ssyncset.done $0x0  }
0xa0: {  	[sflag:s22] =	ssyncadd.s32 s3;
	_ =	sdelay $0x1  }
0xa1: {  	s23 =	simm.s32 $0x1B8B  }
0xa2: {  	_ =	swait.ge [sflag:s23], $0x1  }
0xa3: {  	[sflag:s23] =	ssyncset.done $0x0  }
0xa4: {  	s25 =	simm.s32 $0x1B8E;
	s24 =	sld [smem:$0x3FFE];
	[sflag:s23] =	ssyncadd.s32 $0xFFFFFFFF  }
0xa5: {  	s26 =	simm.s32 $execute0_lowered;
	[smem:$0x3FD2] =	sst s25  }
0xa6: {  	s4 =	sshll.u32 s26, $0x1;
	_ =	strace $0x80000046;
	[dreg:$0x1] =	wrdreg $0xFFFFFFFF  }
0xa7: {  	s28 =	simm.s32 $_size_execute0_lowered;
	s2 =	sadd.s32 s2, s4;
	[dreg:$0x0] =	wrdreg $0x0  }
0xa8: {  	s4 =	sshll.u32 s28, $0x1;
	[dreg:$0x2] =	wrdreg s2  }
0xa9: {  	[dreg:$0x3] =	wrdreg s4  }
0xaa: {  	[dreg:$0x4] =	wrdreg $0xC0  }
0xab: {  	_ =	task [dreg:s6], $0x5FFFF  }
0xac: {  	[dreg:$0x1] =	wrdreg $0xFFFFFFFF  }
0xad: {  	[dreg:$0x0] =	wrdreg $0x60  }
0xae: {  	[dreg:$0x2] =	wrdreg s24  }
0xaf: {  	[dreg:$0x3] =	wrdreg $0x68000  }
0xb0: {  	[dreg:$0x4] =	wrdreg $0x9  }
0xb1: {  	_ =	task.clear_ibuf [dreg:s6], $0x5FFFF;
	_ =	strace $0x90000046  }
0xb2: {  	s29 =	simm.s32 $0x9;
	_ =	strace $0x80000048  }
0xb3: {  	_ =	swait.ge [sflag:s29], $0x1  }
0xb4: {  	[sflag:s29] =	ssyncadd.s32 $0xFFFFFFFF  }
0xb5: {  	_ =	strace $0x90000048  }
0xb6: {  	_ =	sfence  }
0xb7: {  	s30 =	sld [smem:$0x0];
	_ =	sdelay $0x2  }
0xb8: {  	s31 =	sshll.u32 s1, $0xD;
	s1 =	sshrl.u32 s1, $0x2  }
0xb9: {  	s3 =	sand.u32 $0x4000, s31;
	s1 =	sadd.s32 s1, s30  }
0xba: {  	s0 =	sor.u32 s3, s0;
	s1 =	sshll.u32 s1, $0x11  }
0xbb: {  	s0 =	sor.u32 s1, s0  }
0xbc: {  	s0 =	sadd.s32 $0x8F2B, s0  }
0xbd: {  	[sflag:s0] =	ssyncadd.remote.s32 $0x1  }
0xbe: {  	_ =	sfence.sel $0xFFFF  }
0xbf: {  	[dreg:$0x0] =	wrdreg $0xFFFFFFFF;
	(pc) =	sbr.abs _section_cstart, $3  }
0xc0: {  	[dreg:$0x1] =	wrdreg $0xFFFFFFFF  }
0xc1: {  	_ =	task.clear_ibuf [dreg:s6], $0x2FFFF;
	_ =	strace $0x9FFFFFFF  }
0xc2: {  	(tm) =	ssettm $0x7FFFFFFF  }
0xc3: {  	_ =	shalt  }
tec
execute0_lowered:
.L_overlay_start_1:
0x0: {  	(tag) =	ssettag $0x1  }
0x1: {  	s6 =	rddreg [dreg:$0x0]  }
0x2: {  	s1 =	rddreg [dreg:$0x1];
	s2 =	srdreg.scid  }
0x3: {  	s0 =	rddreg [dreg:$0x2];
	s3 =	simm.s32 $0x0;
	s17 =	simm.s32 $0x50  }
0x4: {  	s18 =	simm.s32 $0x80;
	s19 =	simm.s32 $0x100;
	s20 =	simm.s32 $0x180  }
0x5: {  	s21 =	simm.s32 $0x1;
	s7 =	sand.u32 $0x1, s2;
	s2 =	stileid.u32  }
0x6: {  	s22 =	simm.s32 $0x0;
	[smem:$0x7FF] =	sst s3;
	s5 =	smul.u32 $0x140000, s7  }
0x7: {  	s8 =	smul.u32 $0x14000, s2;
	_ =	strace $0x80000047;
	s4 =	sshll.u32 s7, $0xB  }
0x8: {  	s10 =	smul.u32 $0x50000, s2;
	s26 =	ssub.s32 $0x2, s7;
	s28 =	sshll.u32 s2, $0xC  }
0x9: {  	s31 =	sshll.u32 s2, $0x6;
	s9 =	sadd.s32 s4, s6;
	s4 =	sadd.s32 $0x13000, s6  }
0xa: {  	s11 =	sshrl.u32 s26, $0x1;
	s8 =	sadd.s32 s8, s5;
	s5 =	sadd.s32 $0x12800, s6  }
0xb: {  	s7 =	sadd.s32 s28, s9;
	s29 =	sshrl.u32 s10, $0x2;
	s30 =	ssub.s32 s26, s11  }
0xc: {  	s9 =	simm.s32 $0x4000;
	s10 =	simm.s32 $0x2;
	s8 =	sshrl.u32 s8, $0x3  }
0xd: {  	s11 =	sor.u32 $0x1C02, s31;
	s12 =	sadd.s32 s29, s1;
	s8 =	sadd.s32 s8, s6  }
0xe: {  	s6 =	sadd.s32 $0x2800, s7;
	s13 =	sadd.s32 $0x4000, s12;
	s14 =	sadd.s32 $0x8000, s12  }
0xf: {  	s15 =	sadd.s32 $0xC000, s12;
	s16 =	sadd.s32 $0x10000, s12;
	s12 =	sshrl.u32 s12, $0x3  }
0x10: {  	s7 =	sadd.s32 $0x13600, s8;
	s8 =	smax.u32 s30, $0x1;
	s13 =	sshrl.u32 s13, $0x3  }
0x11: {  	s14 =	sshrl.u32 s14, $0x3;
	s15 =	sshrl.u32 s15, $0x3;
	s16 =	sshrl.u32 s16, $0x3  }
.LBB2_1:
0x12: {  	[tilespmem:s9], [sflag:$0x2] =	stream.linear.gather [hbm4b:s4+s3], $0x2800, $0x38;
	[tilespmem:$0x1A800] =	vst v63  }
0x13: {  	_ =	swait.ge [sflag:s10], $0x2800  }
0x14: {  	[sflag:s10] =	ssyncset.done $0x0  }
0x15: {  	[sflag:s10] =	ssyncadd.s32 $0xFFFFD800  }
0x16: {  	[tilespmem:s3], [sflag:$0x2] =	stream.linear.gather [hbm4b:s6+s3], $0x3E80, $0x38;
	[tilespmem:$0x1A800] =	vst v63  }
0x17: {  	_ =	swait.ge [sflag:s10], $0x3E80  }
0x18: {  	[sflag:s10] =	ssyncset.done $0x0  }
0x19: {  	[sflag:s10] =	ssyncadd.s32 $0xFFFFC180  }
0x1a: {  	[spmem:s12], [sflag:s11] =	dma.local [hbm:s5], $0x800  }
0x1b: {  	_ =	swait.ge [sflag:s10], $0x800  }
0x1c: {  	[sflag:s10] =	ssyncset.done $0x0  }
0x1d: {  	[sflag:s10] =	ssyncadd.s32 $0xFFFFF800  }
0x1e: {  	[spmem:s13], [sflag:s11] =	dma.local [hbm:s5], $0x800  }
0x1f: {  	_ =	swait.ge [sflag:s10], $0x800  }
0x20: {  	[sflag:s10] =	ssyncset.done $0x0  }
0x21: {  	[sflag:s10] =	ssyncadd.s32 $0xFFFFF800  }
0x22: {  	[spmem:s14], [sflag:s11] =	dma.local [hbm:s5], $0x800  }
0x23: {  	_ =	swait.ge [sflag:s10], $0x800  }
0x24: {  	[sflag:s10] =	ssyncset.done $0x0  }
0x25: {  	[sflag:s10] =	ssyncadd.s32 $0xFFFFF800  }
0x26: {  	[spmem:s15], [sflag:s11] =	dma.local [hbm:s5], $0x800  }
0x27: {  	_ =	swait.ge [sflag:s10], $0x800  }
0x28: {  	[sflag:s10] =	ssyncset.done $0x0  }
0x29: {  	[sflag:s10] =	ssyncadd.s32 $0xFFFFF800  }
0x2a: {  	[spmem:s16], [sflag:s11] =	dma.local [hbm:s5], $0x800  }
0x2b: {  	_ =	swait.ge [sflag:s10], $0x800  }
0x2c: {  	[sflag:s10] =	ssyncset.done $0x0  }
0x2d: {  	[sflag:s10] =	ssyncadd.s32 $0xFFFFF800  }
0x2e: {  	[bflag:$0x0] =	sbarrier.arrive $0xFFFF  }
0x2f: {  	[spmem:s1] =	stream.indirect.scatter.add.f32 [tilespmem:s9], [sflag:$0x1], $0x80, s3, s17, $0xb8;
	[tilespmem:$0x1A800] =	vst v63  }
0x30: {  	_ = 	snop  }
0x31: {  	[spmem:s1] =	stream.indirect.scatter.add.f32 [tilespmem:s9], [sflag:$0x1], $0x80, s18, s17, $0xb8;
	[tilespmem:$0x1A800] =	vst v63  }
0x32: {  	_ = 	snop  }
0x33: {  	[spmem:s1] =	stream.indirect.scatter.add.f32 [tilespmem:s9], [sflag:$0x1], $0x80, s19, s17, $0xb8;
	[tilespmem:$0x1A800] =	vst v63  }
0x34: {  	_ = 	snop  }
0x35: {  	[spmem:s1] =	stream.indirect.scatter.add.f32 [tilespmem:s9], [sflag:$0x1], $0x80, s20, s17, $0xb8;
	[tilespmem:$0x1A800] =	vst v63  }
0x36: {  	s23 =	simm.s32 $0x200  }
0x37: {  	[spmem:s1] =	stream.indirect.scatter.add.f32 [tilespmem:s9], [sflag:$0x1], $0x80, s23, s17, $0xb8;
	[tilespmem:$0x1A800] =	vst v63  }
0x38: {  	_ =	swait.ge [sflag:s21], $0x2800  }
0x39: {  	s23 =	simm.s32 $0xA00;
	[sflag:s21] =	ssyncset.done $0x0  }
.LBB2_2:
0x3a: {  	s24 =	sshra.s32 s23, $0x2;
	[sflag:s21] =	ssyncadd.s32 $0xFFFFD800;
	p0 =	sne.s32 s23, $0xF800  }
0x3b: {  	[spmem:s1] =	stream.indirect.scatter.add.f32 [tilespmem:s9], [sflag:$0x1], $0x80, s24, s17, $0xb8;
	[tilespmem:$0x1A800] =	vst v63  }
.Ltmp0:
0x3c: {  	_ = 	snop;
	(pc) =	sbr.rel @p0 .LBB2_2-.Ltmp0, $4  }
0x3d: {  	_ = 	snop  }
0x3e: {  	s23 =	sadd.s32 $0x200, s23  }
0x3f: {  	_ =	swait.ge [sflag:s21], $0x2800  }
0x40: {  	[sflag:s21] =	ssyncset.done $0x0  }
0x41: {  	[sflag:s21] =	ssyncadd.s32 $0xFFFFD800  }
0x42: {  	_ =	swait.ge [sflag:s21], $0x2800  }
0x43: {  	[sflag:s21] =	ssyncset.done $0x0  }
0x44: {  	[sflag:s21] =	ssyncadd.s32 $0xFFFFD800  }
0x45: {  	_ =	swait.ge [sflag:s21], $0x2800  }
0x46: {  	[sflag:s21] =	ssyncset.done $0x0  }
0x47: {  	[sflag:s21] =	ssyncadd.s32 $0xFFFFD800  }
0x48: {  	_ =	swait.ge [sflag:s21], $0x2800  }
0x49: {  	[sflag:s21] =	ssyncset.done $0x0  }
0x4a: {  	[sflag:s21] =	ssyncadd.s32 $0xFFFFD800  }
0x4b: {  	_ =	swait.ge [sflag:s21], $0x2800  }
0x4c: {  	s22 =	sadd.s32 $0x1, s22;
	[sflag:s21] =	ssyncset.done $0x0  }
0x4d: {  	p0 =	sne.s32 s22, s8;
	[sflag:s21] =	ssyncadd.s32 $0xFFFFD800  }
.Ltmp1:
0x4e: {  	[bflag:$0x0] =	sbarrier.arrive $0xFFFF;
	(pc) =	sbr.rel @p0 .LBB2_1-.Ltmp1, $4  }
0x4f: {  	[hbm:s7], [sflag:s11] =	dma.local [spmem:s12], $0x2800  }
0x50: {  	_ =	swait.ge [sflag:s10], $0x2800  }
0x51: {  	[sflag:s10] =	ssyncset.done $0x0  }
0x52: {  	[sflag:s10] =	ssyncadd.s32 $0xFFFFD800  }
0x53: {  	_ =	sfence.sel $0x180000  }
0x54: {  	[bflag:$0x0] =	sbarrier.arrive $0xFFFF  }
0x55: {  	p0 =	sne.s32 s2, $0x0;
	_ =	strace $0x90000047  }
0x56: {  	s0 =	sadd.s32 @!p0 $0x100000, s0;
	[bflag:$0x2] =	sbarrier.arrive $0xFFFF  }
0x57: {  	[sflag:s0] =	ssyncadd.tile.s32 @!p0 $0x1;
	_ =	shalt  }
.Lfunc_end2:
_tile_overlayer_lowered:
.L_overlay_start_2:
0x58: {  	(tag) =	ssettag $0x2  }
0x59: {  	s0 =	rddreg [dreg:$0x0];
	s2 =	stileid.u32  }
0x5a: {  	s1 =	rddreg [dreg:$0x1];
	p0 =	sne.s32 s2, $0x0  }
0x5b: {  	s3 =	rddreg [dreg:$0x2];
	[bflag:$0x3] =	sbarrier.arrive $0xFFFF;
	s2 =	simm.s32 @!p0 $0x1C02  }
0x5c: {  	[timem:s3], [sflag:s2] =	dma.local @!p0 [hbm:s0], s1  }
0x5d: {  	s0 =	simm.s32 @!p0 $0x2  }
0x5e: {  	_ =	swait.ge @!p0 [sflag:s0], s1  }
0x5f: {  	s1 =	ssub.s32 @!p0 $0x0, s1;
	[sflag:s0] =	ssyncset.done @!p0 $0x0  }
0x60: {  	[sflag:s0] =	ssyncadd.s32 @!p0 s1  }
0x61: {  	[bflag:$0x3] =	sbarrier.arrive $0xFFFF  }
0x62: {  	_ =	shalt  }

</sc_bundles>
